<compile_context>
chip_gen: v7x
topology: tpu7x:2x2x1
jax: 0.10.2.dev20260603
libtpu: 0.0.44.dev20260713+nightly
codegen_flags: <defaults>
</compile_context>

<pallas_src>
import functools

import jax
import jax.numpy as jnp
from jax import lax
from jax.experimental import pallas as pl
from jax.experimental.pallas import tpu as pltpu
from jax.experimental.pallas import tpu_sc as plsc

B = 16384
D = 256
M = 1024

_info = plsc.get_sparse_core_info()
NC, NS, L = _info.num_cores, _info.num_subcores, _info.num_lanes
NW = NC * NS
RPW = B // NW
CHUNK = 128
NCHUNK = RPW // CHUNK

_sc_mesh = plsc.VectorSubcoreMesh(core_axis_name="c", subcore_axis_name="s")


@functools.partial(
    pl.kernel,
    mesh=_sc_mesh,
    out_type=[
        jax.ShapeDtypeStruct((B, D), jnp.float32),
        jax.ShapeDtypeStruct((B // CHUNK, CHUNK), jnp.int32),
    ],
    scratch_types=[
        pltpu.VMEM((NCHUNK, CHUNK), jnp.int32),
        [pltpu.VMEM((CHUNK,), jnp.int32)] * NCHUNK,
        [pltpu.VMEM((CHUNK, D), jnp.float32)] * 2,
        [pltpu.SemaphoreType.DMA] * 2,
    ],
)
def _sc_gather(src_hbm, cind_hbm, cb_hbm, cg_hbm, sc_hbm,
               src_v, sc_v, row_v, sem):
    c = lax.axis_index("c")
    s = lax.axis_index("s")
    wid = s * NC + c
    base = wid * RPW

    pltpu.sync_copy(src_hbm.at[pl.ds(wid * NCHUNK, NCHUNK), :], src_v)
    for k in range(NCHUNK):
        pltpu.async_copy(cind_hbm.at[src_v.at[k]], sc_v[k], sem[0]).wait()
    for k in range(NCHUNK):
        pltpu.sync_copy(sc_v[k], sc_hbm.at[wid * NCHUNK + k])

    gets = [None, None]
    puts = [None, None]
    for k in range(NCHUNK):
        kb = k % 2
        if puts[kb] is not None:
            puts[kb].wait()
        gets[kb] = pltpu.async_copy(cb_hbm.at[sc_v[k]], row_v[kb], sem[kb])
        gets[kb].wait()
        puts[kb] = pltpu.async_copy(
            row_v[kb], cg_hbm.at[pl.ds(base + k * CHUNK, CHUNK), :], sem[kb])
    for p in puts:
        if p is not None:
            p.wait()


_BR = 512
_NBLK = B // _BR


def _tc_body(wr_ref, x_ref, cg_ref, sc_ref, w_ref, b_ref, cb_ref, g_ref,
             o_ref, info_ref, xn_ref, s_acc, n_acc, nrm_acc):
    i = pl.program_id(0)

    @pl.when(i == 0)
    def _():
        s_acc[...] = jnp.zeros_like(s_acc)
        n_acc[...] = jnp.zeros_like(n_acc)
        nrm_acc[...] = jnp.zeros_like(nrm_acc)

    x = x_ref[...]
    y = x + wr_ref[...] * cg_ref[...]
    o_ref[...] = (jnp.dot(y, w_ref[...], preferred_element_type=jnp.float32)
                  + 2.0 * b_ref[...])

    rs = jnp.sum(x * x, axis=1, keepdims=True)
    nrm_acc[...] += jnp.sum(jnp.sqrt(rs), keepdims=True)

    mids = lax.broadcasted_iota(jnp.int32, (_BR, M), 1)
    e = (sc_ref[...] == mids).astype(jnp.float32)
    s_acc[...] += lax.dot_general(e, x, (((0,), (0,)), ((), ())),
                                  preferred_element_type=jnp.float32)
    n_acc[...] += jnp.sum(e, axis=0, keepdims=True)

    @pl.when(i == _NBLK - 1)
    def _():
        wr = wr_ref[...]
        z = wr * cb_ref[...] + s_acc[...]
        zw = jnp.dot(z, w_ref[...], preferred_element_type=jnp.float32)
        g = g_ref[...]
        part1 = jnp.sum(zw * g, keepdims=True)
        gb = jnp.sum(g * b_ref[...], axis=1, keepdims=True)
        part2 = jnp.dot(1.0 + n_acc[...], gb,
                        preferred_element_type=jnp.float32)
        info_ref[...] = wr * (part1 + part2)
        xn_ref[...] = nrm_acc[...] / B


_tc_main = pl.pallas_call(
    _tc_body,
    grid=(_NBLK,),
    in_specs=[
        pl.BlockSpec((1, 1), lambda i: (0, 0)),
        pl.BlockSpec((_BR, D), lambda i: (i, 0)),
        pl.BlockSpec((_BR, D), lambda i: (i, 0)),
        pl.BlockSpec((_BR, 1), lambda i: (i, 0)),
        pl.BlockSpec((D, D), lambda i: (0, 0)),
        pl.BlockSpec((1, D), lambda i: (0, 0)),
        pl.BlockSpec((M, D), lambda i: (0, 0)),
        pl.BlockSpec((M, D), lambda i: (0, 0)),
    ],
    out_specs=[
        pl.BlockSpec((_BR, D), lambda i: (i, 0)),
        pl.BlockSpec((1, 1), lambda i: (0, 0)),
        pl.BlockSpec((1, 1), lambda i: (0, 0)),
    ],
    out_shape=[
        jax.ShapeDtypeStruct((B, D), jnp.float32),
        jax.ShapeDtypeStruct((1, 1), jnp.float32),
        jax.ShapeDtypeStruct((1, 1), jnp.float32),
    ],
    scratch_shapes=[
        pltpu.VMEM((M, D), jnp.float32),
        pltpu.VMEM((1, M), jnp.float32),
        pltpu.VMEM((1, 1), jnp.float32),
    ],
)


def kernel(X_B, batch_A, c_indices, codebook, ema_grad, W, b,
           warm_up_rate=1.0, unlabeled=0):
    src = batch_A[0]
    wr = jnp.asarray(warm_up_rate, jnp.float32).reshape(1, 1)
    b_row = jnp.asarray(b, jnp.float32).reshape(1, D)

    npad = (-c_indices.shape[0]) % 128
    cind = jnp.concatenate([c_indices, jnp.zeros((npad,), jnp.int32)])
    cg, sc = _sc_gather(src.reshape(B // CHUNK, CHUNK), cind, codebook)

    out, info, xn = _tc_main(wr, X_B, cg, sc.reshape(B, 1), W, b_row,
                             codebook, ema_grad)

    zero = jnp.float32(0.0)
    return (out, zero, xn[0, 0], zero, zero, info[0, 0], X_B)

# --- scband reference (transcript-rebuilt; emitter-appended) ---
"""Pipeline reference for scband-low-rank-gnnblock-103079215395 (READ-ONLY COPY).

The authoritative reference and input builder live on the scoring server;
editing this copy changes nothing except your own understanding.
"""

import jax, jax.numpy as jnp
import numpy as np

NUM_M = 1024
NUM_D = 256
NUM_N = 100000
B = 16384


def setup_inputs(seed: int = 0) -> dict:
    key = jax.random.key(seed)
    ks = jax.random.split(key, 8)
    X_B = jax.random.normal(ks[0], (B, NUM_D), dtype=jnp.float32)
    src = jax.random.randint(ks[1], (B,), 0, NUM_N, dtype=jnp.int32)
    batch_indices = jax.random.randint(ks[2], (B,), 0, NUM_N, dtype=jnp.int32)
    batch_A = jnp.stack([src, batch_indices], axis=0)  # batch_A[-1] == batch node indices
    # buffers / learned state of the module
    c_indices = jax.random.randint(ks[3], (NUM_N,), 0, NUM_M, dtype=jnp.int32)  # cluster assignment buffer
    codebook = jax.random.normal(ks[4], (NUM_M, NUM_D), dtype=jnp.float32) * 0.05  # vq.get_codebook()
    ema_grad = jax.random.normal(ks[5], (NUM_M, NUM_D), dtype=jnp.float32) * 0.01  # vq.get_grad()
    W = jax.random.normal(ks[6], (NUM_D, NUM_D), dtype=jnp.float32) / np.sqrt(NUM_D)  # OurGCNConv weight
    b = jnp.zeros((NUM_D,), dtype=jnp.float32)  # OurGCNConv bias
    return {"X_B": X_B, "batch_A": batch_A, "c_indices": c_indices,
            "codebook": codebook, "ema_grad": ema_grad, "W": W, "b": b,
            "warm_up_rate": 1.0, "unlabeled": 0}


def reference(X_B, batch_A, c_indices, codebook, ema_grad, W, b, warm_up_rate=1.0, unlabeled=0):
    # eval-mode forward of LowRankGNNBlock (conv_type='GCN', transformer_flag=False,
    # EMA_flag=True, hook/kmeans branches inactive in eval)
    Bn = X_B.shape[0]
    M = codebook.shape[0]
    src = batch_A[0]
    # mapper(batch_A, c_indices, ...): remap out-of-batch neighbors to their codeword node
    src_cluster = jnp.take(c_indices, src)  # [B], gather cluster id per edge
    X_bar = codebook * warm_up_rate
    X_input = jnp.concatenate([X_B, X_bar], axis=0)  # [B+M, D]
    # OurGCNConv(normalize=False): linear transform then adjacency aggregation
    H = X_input @ W + b
    msg = jnp.take(H, Bn + src_cluster, axis=0)  # gather codeword messages to batch nodes
    X_output_B = H[:Bn] + msg  # self-loop + low-rank (codeword) message
    agg = jax.ops.segment_sum(H[:Bn], src_cluster, num_segments=M)  # scatter-add batch -> codeword slots
    X_output_M = H[Bn:] + agg
    info_backward = jnp.sum(X_output_M * ema_grad * warm_up_rate)
    x_norm = jnp.mean(jnp.linalg.norm(X_B, axis=1))
    commit_loss = jnp.float32(0.0)
    error = jnp.float32(0.0)
    quantized_norm = jnp.float32(0.0)
    return X_output_B, error, x_norm, quantized_norm, commit_loss, info_backward, X_B

if __name__ == "__main__":
    import jax
    _d = setup_inputs()
    print(jax.jit(kernel)(*tuple(_d.values())))

</pallas_src>

<mosaic_0001>
#map = affine_map<(d0, d1) -> (0, 0)>
#map1 = affine_map<(d0, d1) -> (0)>
module attributes {stable_mosaic.version = 14 : i64} {
  func.func @_sc_gather(%arg0: i32, %arg1: i32, %arg2: memref<128x128xi32, #tpu.memory_space<hbm>>, %arg3: memref<100096xi32, #tpu.memory_space<hbm>>, %arg4: memref<1024x256xf32, #tpu.memory_space<hbm>>, %arg5: memref<16384x256xf32, #tpu.memory_space<hbm>>, %arg6: memref<128x128xi32, #tpu.memory_space<hbm>>, %arg7: memref<4x128xi32, #tpu.memory_space<vmem>>, %arg8: memref<128xi32, #tpu.memory_space<vmem>>, %arg9: memref<128xi32, #tpu.memory_space<vmem>>, %arg10: memref<128xi32, #tpu.memory_space<vmem>>, %arg11: memref<128xi32, #tpu.memory_space<vmem>>, %arg12: memref<128x256xf32, #tpu.memory_space<vmem>>, %arg13: memref<128x256xf32, #tpu.memory_space<vmem>>, %arg14: memref<!tpu.dma_semaphore, #tpu.memory_space<semaphore_mem>>, %arg15: memref<!tpu.dma_semaphore, #tpu.memory_space<semaphore_mem>>) attributes {dimension_semantics = [#tpu.dimension_semantics<core_parallel>, #tpu.dimension_semantics<subcore_parallel>], iteration_bounds = array<i64: 2, 16>, scalar_prefetch = 0 : i64, scratch_operands = 9 : i64, tpu.core_type = #tpu.core_type<sc_vector_subcore>, window_params = [{transform_indices = #map}, {transform_indices = #map1}, {transform_indices = #map}, {transform_indices = #map}, {transform_indices = #map}]} {
    %mul3A = arith.constant 2 : i32
    %mul3A_0 = arith.muli %arg1, %mul3A : i32
    %add3A = arith.addi %mul3A_0, %arg0 : i32
    %mul3A_1 = arith.constant 512 : i32
    %mul3A_2 = arith.muli %add3A, %mul3A_1 : i32
    %mul3A_3 = arith.constant 4 : i32
    %mul3A_4 = arith.muli %add3A, %mul3A_3 : i32
    "tpu.region"() ({
      %run_scoped3A = tpu.sem_alloc : memref<!tpu.dma_semaphore, #tpu.memory_space<semaphore_mem>>
      %dma_start3A_131 = arith.constant 0 : i32
      %dma_start3A_132 = tpu.memref_slice %arg2[%mul3A_4, %dma_start3A_131] : memref<128x128xi32, #tpu.memory_space<hbm>> -> memref<4x128xi32, #tpu.memory_space<hbm>>
      %dma_start3A_133 = arith.constant 0 : i32
      %dma_start3A_134 = tpu.memref_slice %arg2[%mul3A_4, %dma_start3A_133] : memref<128x128xi32, #tpu.memory_space<hbm>> -> memref<4x128xi32, #tpu.memory_space<hbm>>
      tpu.enqueue_dma source(%dma_start3A_134 : memref<4x128xi32, #tpu.memory_space<hbm>>) target(%arg7 : memref<4x128xi32, #tpu.memory_space<vmem>>) target_semaphore(%run_scoped3A : memref<!tpu.dma_semaphore, #tpu.memory_space<semaphore_mem>>)
      %dma_wait3A_135 = arith.constant 0 : i32
      %dma_wait3A_136 = tpu.memref_slice %arg2[%mul3A_4, %dma_wait3A_135] : memref<128x128xi32, #tpu.memory_space<hbm>> -> memref<4x128xi32, #tpu.memory_space<hbm>>
      %dma_wait3A_137 = arith.constant 0 : i32
      %dma_wait3A_138 = tpu.memref_slice %arg2[%mul3A_4, %dma_wait3A_137] : memref<128x128xi32, #tpu.memory_space<hbm>> -> memref<4x128xi32, #tpu.memory_space<hbm>>
      tpu.wait_dma2 semaphore(%run_scoped3A : memref<!tpu.dma_semaphore, #tpu.memory_space<semaphore_mem>>) src(%dma_wait3A_138 : memref<4x128xi32, #tpu.memory_space<hbm>>) dst(%arg7 : memref<4x128xi32, #tpu.memory_space<vmem>>)
      tpu.yield
    }) : () -> ()
    %dma_start3A = arith.constant 0 : i32
    %dma_start3A_5 = arith.constant 0 : i32
    %dma_start3A_6 = tpu.memref_slice %arg7[%dma_start3A, %dma_start3A_5] : memref<4x128xi32, #tpu.memory_space<vmem>> -> memref<1x128xi32, #tpu.memory_space<vmem>>
    %dma_start3A_7 = tpu.memref_squeeze %dma_start3A_6 : memref<1x128xi32, #tpu.memory_space<vmem>> -> memref<128xi32, #tpu.memory_space<vmem>>
    %dma_start3A_8 = arith.constant 0 : i32
    %dma_start3A_9 = tpu.memref_slice %arg3[%dma_start3A_8] : memref<100096xi32, #tpu.memory_space<hbm>> -> memref<100096xi32, #tpu.memory_space<hbm>>
    tpu.enqueue_indirect_dma source(%dma_start3A_9 : memref<100096xi32, #tpu.memory_space<hbm>>) target(%arg8 : memref<128xi32, #tpu.memory_space<vmem>>) offsets(%dma_start3A_7 : memref<128xi32, #tpu.memory_space<vmem>>) semaphore(%arg14 : memref<!tpu.dma_semaphore, #tpu.memory_space<semaphore_mem>>)
    %dma_wait3A = arith.constant 0 : i32
    %dma_wait3A_10 = arith.constant 0 : i32
    %dma_wait3A_11 = tpu.memref_slice %arg7[%dma_wait3A, %dma_wait3A_10] : memref<4x128xi32, #tpu.memory_space<vmem>> -> memref<1x128xi32, #tpu.memory_space<vmem>>
    %dma_wait3A_12 = tpu.memref_squeeze %dma_wait3A_11 : memref<1x128xi32, #tpu.memory_space<vmem>> -> memref<128xi32, #tpu.memory_space<vmem>>
    %dma_wait3A_13 = arith.constant 0 : i32
    %dma_wait3A_14 = tpu.memref_slice %arg3[%dma_wait3A_13] : memref<100096xi32, #tpu.memory_space<hbm>> -> memref<100096xi32, #tpu.memory_space<hbm>>
    tpu.wait_indirect_dma semaphore(%arg14 : memref<!tpu.dma_semaphore, #tpu.memory_space<semaphore_mem>>) src(%dma_wait3A_14 : memref<100096xi32, #tpu.memory_space<hbm>>) dst(%arg8 : memref<128xi32, #tpu.memory_space<vmem>>)
    %dma_start3A_15 = arith.constant 1 : i32
    %dma_start3A_16 = arith.constant 0 : i32
    %dma_start3A_17 = tpu.memref_slice %arg7[%dma_start3A_15, %dma_start3A_16] : memref<4x128xi32, #tpu.memory_space<vmem>> -> memref<1x128xi32, #tpu.memory_space<vmem>>
    %dma_start3A_18 = tpu.memref_squeeze %dma_start3A_17 : memref<1x128xi32, #tpu.memory_space<vmem>> -> memref<128xi32, #tpu.memory_space<vmem>>
    %dma_start3A_19 = arith.constant 0 : i32
    %dma_start3A_20 = tpu.memref_slice %arg3[%dma_start3A_19] : memref<100096xi32, #tpu.memory_space<hbm>> -> memref<100096xi32, #tpu.memory_space<hbm>>
    tpu.enqueue_indirect_dma source(%dma_start3A_20 : memref<100096xi32, #tpu.memory_space<hbm>>) target(%arg9 : memref<128xi32, #tpu.memory_space<vmem>>) offsets(%dma_start3A_18 : memref<128xi32, #tpu.memory_space<vmem>>) semaphore(%arg14 : memref<!tpu.dma_semaphore, #tpu.memory_space<semaphore_mem>>)
    %dma_wait3A_21 = arith.constant 1 : i32
    %dma_wait3A_22 = arith.constant 0 : i32
    %dma_wait3A_23 = tpu.memref_slice %arg7[%dma_wait3A_21, %dma_wait3A_22] : memref<4x128xi32, #tpu.memory_space<vmem>> -> memref<1x128xi32, #tpu.memory_space<vmem>>
    %dma_wait3A_24 = tpu.memref_squeeze %dma_wait3A_23 : memref<1x128xi32, #tpu.memory_space<vmem>> -> memref<128xi32, #tpu.memory_space<vmem>>
    %dma_wait3A_25 = arith.constant 0 : i32
    %dma_wait3A_26 = tpu.memref_slice %arg3[%dma_wait3A_25] : memref<100096xi32, #tpu.memory_space<hbm>> -> memref<100096xi32, #tpu.memory_space<hbm>>
    tpu.wait_indirect_dma semaphore(%arg14 : memref<!tpu.dma_semaphore, #tpu.memory_space<semaphore_mem>>) src(%dma_wait3A_26 : memref<100096xi32, #tpu.memory_space<hbm>>) dst(%arg9 : memref<128xi32, #tpu.memory_space<vmem>>)
    %dma_start3A_27 = arith.constant 2 : i32
    %dma_start3A_28 = arith.constant 0 : i32
    %dma_start3A_29 = tpu.memref_slice %arg7[%dma_start3A_27, %dma_start3A_28] : memref<4x128xi32, #tpu.memory_space<vmem>> -> memref<1x128xi32, #tpu.memory_space<vmem>>
    %dma_start3A_30 = tpu.memref_squeeze %dma_start3A_29 : memref<1x128xi32, #tpu.memory_space<vmem>> -> memref<128xi32, #tpu.memory_space<vmem>>
    %dma_start3A_31 = arith.constant 0 : i32
    %dma_start3A_32 = tpu.memref_slice %arg3[%dma_start3A_31] : memref<100096xi32, #tpu.memory_space<hbm>> -> memref<100096xi32, #tpu.memory_space<hbm>>
    tpu.enqueue_indirect_dma source(%dma_start3A_32 : memref<100096xi32, #tpu.memory_space<hbm>>) target(%arg10 : memref<128xi32, #tpu.memory_space<vmem>>) offsets(%dma_start3A_30 : memref<128xi32, #tpu.memory_space<vmem>>) semaphore(%arg14 : memref<!tpu.dma_semaphore, #tpu.memory_space<semaphore_mem>>)
    %dma_wait3A_33 = arith.constant 2 : i32
    %dma_wait3A_34 = arith.constant 0 : i32
    %dma_wait3A_35 = tpu.memref_slice %arg7[%dma_wait3A_33, %dma_wait3A_34] : memref<4x128xi32, #tpu.memory_space<vmem>> -> memref<1x128xi32, #tpu.memory_space<vmem>>
    %dma_wait3A_36 = tpu.memref_squeeze %dma_wait3A_35 : memref<1x128xi32, #tpu.memory_space<vmem>> -> memref<128xi32, #tpu.memory_space<vmem>>
    %dma_wait3A_37 = arith.constant 0 : i32
    %dma_wait3A_38 = tpu.memref_slice %arg3[%dma_wait3A_37] : memref<100096xi32, #tpu.memory_space<hbm>> -> memref<100096xi32, #tpu.memory_space<hbm>>
    tpu.wait_indirect_dma semaphore(%arg14 : memref<!tpu.dma_semaphore, #tpu.memory_space<semaphore_mem>>) src(%dma_wait3A_38 : memref<100096xi32, #tpu.memory_space<hbm>>) dst(%arg10 : memref<128xi32, #tpu.memory_space<vmem>>)
    %dma_start3A_39 = arith.constant 3 : i32
    %dma_start3A_40 = arith.constant 0 : i32
    %dma_start3A_41 = tpu.memref_slice %arg7[%dma_start3A_39, %dma_start3A_40] : memref<4x128xi32, #tpu.memory_space<vmem>> -> memref<1x128xi32, #tpu.memory_space<vmem>>
    %dma_start3A_42 = tpu.memref_squeeze %dma_start3A_41 : memref<1x128xi32, #tpu.memory_space<vmem>> -> memref<128xi32, #tpu.memory_space<vmem>>
    %dma_start3A_43 = arith.constant 0 : i32
    %dma_start3A_44 = tpu.memref_slice %arg3[%dma_start3A_43] : memref<100096xi32, #tpu.memory_space<hbm>> -> memref<100096xi32, #tpu.memory_space<hbm>>
    tpu.enqueue_indirect_dma source(%dma_start3A_44 : memref<100096xi32, #tpu.memory_space<hbm>>) target(%arg11 : memref<128xi32, #tpu.memory_space<vmem>>) offsets(%dma_start3A_42 : memref<128xi32, #tpu.memory_space<vmem>>) semaphore(%arg14 : memref<!tpu.dma_semaphore, #tpu.memory_space<semaphore_mem>>)
    %dma_wait3A_45 = arith.constant 3 : i32
    %dma_wait3A_46 = arith.constant 0 : i32
    %dma_wait3A_47 = tpu.memref_slice %arg7[%dma_wait3A_45, %dma_wait3A_46] : memref<4x128xi32, #tpu.memory_space<vmem>> -> memref<1x128xi32, #tpu.memory_space<vmem>>
    %dma_wait3A_48 = tpu.memref_squeeze %dma_wait3A_47 : memref<1x128xi32, #tpu.memory_space<vmem>> -> memref<128xi32, #tpu.memory_space<vmem>>
    %dma_wait3A_49 = arith.constant 0 : i32
    %dma_wait3A_50 = tpu.memref_slice %arg3[%dma_wait3A_49] : memref<100096xi32, #tpu.memory_space<hbm>> -> memref<100096xi32, #tpu.memory_space<hbm>>
    tpu.wait_indirect_dma semaphore(%arg14 : memref<!tpu.dma_semaphore, #tpu.memory_space<semaphore_mem>>) src(%dma_wait3A_50 : memref<100096xi32, #tpu.memory_space<hbm>>) dst(%arg11 : memref<128xi32, #tpu.memory_space<vmem>>)
    %mul3A_51 = arith.constant 4 : i32
    %mul3A_52 = arith.muli %add3A, %mul3A_51 : i32
    %add3A_53 = arith.constant 0 : i32
    %add3A_54 = arith.addi %mul3A_52, %add3A_53 : i32
    "tpu.region"() ({
      %run_scoped3A = tpu.sem_alloc : memref<!tpu.dma_semaphore, #tpu.memory_space<semaphore_mem>>
      %dma_start3A_131 = arith.constant 0 : i32
      %dma_start3A_132 = tpu.memref_slice %arg6[%add3A_54, %dma_start3A_131] : memref<128x128xi32, #tpu.memory_space<hbm>> -> memref<1x128xi32, #tpu.memory_space<hbm>>
      %dma_start3A_133 = tpu.memref_squeeze %dma_start3A_132 : memref<1x128xi32, #tpu.memory_space<hbm>> -> memref<128xi32, #tpu.memory_space<hbm>>
      %dma_start3A_134 = arith.constant 0 : i32
      %dma_start3A_135 = tpu.memref_slice %arg6[%add3A_54, %dma_start3A_134] : memref<128x128xi32, #tpu.memory_space<hbm>> -> memref<1x128xi32, #tpu.memory_space<hbm>>
      %dma_start3A_136 = tpu.memref_squeeze %dma_start3A_135 : memref<1x128xi32, #tpu.memory_space<hbm>> -> memref<128xi32, #tpu.memory_space<hbm>>
      tpu.enqueue_dma source(%arg8 : memref<128xi32, #tpu.memory_space<vmem>>) target(%dma_start3A_136 : memref<128xi32, #tpu.memory_space<hbm>>) target_semaphore(%run_scoped3A : memref<!tpu.dma_semaphore, #tpu.memory_space<semaphore_mem>>)
      %dma_wait3A_137 = arith.constant 0 : i32
      %dma_wait3A_138 = tpu.memref_slice %arg6[%add3A_54, %dma_wait3A_137] : memref<128x128xi32, #tpu.memory_space<hbm>> -> memref<1x128xi32, #tpu.memory_space<hbm>>
      %dma_wait3A_139 = tpu.memref_squeeze %dma_wait3A_138 : memref<1x128xi32, #tpu.memory_space<hbm>> -> memref<128xi32, #tpu.memory_space<hbm>>
      %dma_wait3A_140 = arith.constant 0 : i32
      %dma_wait3A_141 = tpu.memref_slice %arg6[%add3A_54, %dma_wait3A_140] : memref<128x128xi32, #tpu.memory_space<hbm>> -> memref<1x128xi32, #tpu.memory_space<hbm>>
      %dma_wait3A_142 = tpu.memref_squeeze %dma_wait3A_141 : memref<1x128xi32, #tpu.memory_space<hbm>> -> memref<128xi32, #tpu.memory_space<hbm>>
      tpu.wait_dma2 semaphore(%run_scoped3A : memref<!tpu.dma_semaphore, #tpu.memory_space<semaphore_mem>>) src(%arg8 : memref<128xi32, #tpu.memory_space<vmem>>) dst(%dma_wait3A_142 : memref<128xi32, #tpu.memory_space<hbm>>)
      tpu.yield
    }) : () -> ()
    %mul3A_55 = arith.constant 4 : i32
    %mul3A_56 = arith.muli %add3A, %mul3A_55 : i32
    %add3A_57 = arith.constant 1 : i32
    %add3A_58 = arith.addi %mul3A_56, %add3A_57 : i32
    "tpu.region"() ({
      %run_scoped3A = tpu.sem_alloc : memref<!tpu.dma_semaphore, #tpu.memory_space<semaphore_mem>>
      %dma_start3A_131 = arith.constant 0 : i32
      %dma_start3A_132 = tpu.memref_slice %arg6[%add3A_58, %dma_start3A_131] : memref<128x128xi32, #tpu.memory_space<hbm>> -> memref<1x128xi32, #tpu.memory_space<hbm>>
      %dma_start3A_133 = tpu.memref_squeeze %dma_start3A_132 : memref<1x128xi32, #tpu.memory_space<hbm>> -> memref<128xi32, #tpu.memory_space<hbm>>
      %dma_start3A_134 = arith.constant 0 : i32
      %dma_start3A_135 = tpu.memref_slice %arg6[%add3A_58, %dma_start3A_134] : memref<128x128xi32, #tpu.memory_space<hbm>> -> memref<1x128xi32, #tpu.memory_space<hbm>>
      %dma_start3A_136 = tpu.memref_squeeze %dma_start3A_135 : memref<1x128xi32, #tpu.memory_space<hbm>> -> memref<128xi32, #tpu.memory_space<hbm>>
      tpu.enqueue_dma source(%arg9 : memref<128xi32, #tpu.memory_space<vmem>>) target(%dma_start3A_136 : memref<128xi32, #tpu.memory_space<hbm>>) target_semaphore(%run_scoped3A : memref<!tpu.dma_semaphore, #tpu.memory_space<semaphore_mem>>)
      %dma_wait3A_137 = arith.constant 0 : i32
      %dma_wait3A_138 = tpu.memref_slice %arg6[%add3A_58, %dma_wait3A_137] : memref<128x128xi32, #tpu.memory_space<hbm>> -> memref<1x128xi32, #tpu.memory_space<hbm>>
      %dma_wait3A_139 = tpu.memref_squeeze %dma_wait3A_138 : memref<1x128xi32, #tpu.memory_space<hbm>> -> memref<128xi32, #tpu.memory_space<hbm>>
      %dma_wait3A_140 = arith.constant 0 : i32
      %dma_wait3A_141 = tpu.memref_slice %arg6[%add3A_58, %dma_wait3A_140] : memref<128x128xi32, #tpu.memory_space<hbm>> -> memref<1x128xi32, #tpu.memory_space<hbm>>
      %dma_wait3A_142 = tpu.memref_squeeze %dma_wait3A_141 : memref<1x128xi32, #tpu.memory_space<hbm>> -> memref<128xi32, #tpu.memory_space<hbm>>
      tpu.wait_dma2 semaphore(%run_scoped3A : memref<!tpu.dma_semaphore, #tpu.memory_space<semaphore_mem>>) src(%arg9 : memref<128xi32, #tpu.memory_space<vmem>>) dst(%dma_wait3A_142 : memref<128xi32, #tpu.memory_space<hbm>>)
      tpu.yield
    }) : () -> ()
    %mul3A_59 = arith.constant 4 : i32
    %mul3A_60 = arith.muli %add3A, %mul3A_59 : i32
    %add3A_61 = arith.constant 2 : i32
    %add3A_62 = arith.addi %mul3A_60, %add3A_61 : i32
    "tpu.region"() ({
      %run_scoped3A = tpu.sem_alloc : memref<!tpu.dma_semaphore, #tpu.memory_space<semaphore_mem>>
      %dma_start3A_131 = arith.constant 0 : i32
      %dma_start3A_132 = tpu.memref_slice %arg6[%add3A_62, %dma_start3A_131] : memref<128x128xi32, #tpu.memory_space<hbm>> -> memref<1x128xi32, #tpu.memory_space<hbm>>
      %dma_start3A_133 = tpu.memref_squeeze %dma_start3A_132 : memref<1x128xi32, #tpu.memory_space<hbm>> -> memref<128xi32, #tpu.memory_space<hbm>>
      %dma_start3A_134 = arith.constant 0 : i32
      %dma_start3A_135 = tpu.memref_slice %arg6[%add3A_62, %dma_start3A_134] : memref<128x128xi32, #tpu.memory_space<hbm>> -> memref<1x128xi32, #tpu.memory_space<hbm>>
      %dma_start3A_136 = tpu.memref_squeeze %dma_start3A_135 : memref<1x128xi32, #tpu.memory_space<hbm>> -> memref<128xi32, #tpu.memory_space<hbm>>
      tpu.enqueue_dma source(%arg10 : memref<128xi32, #tpu.memory_space<vmem>>) target(%dma_start3A_136 : memref<128xi32, #tpu.memory_space<hbm>>) target_semaphore(%run_scoped3A : memref<!tpu.dma_semaphore, #tpu.memory_space<semaphore_mem>>)
      %dma_wait3A_137 = arith.constant 0 : i32
      %dma_wait3A_138 = tpu.memref_slice %arg6[%add3A_62, %dma_wait3A_137] : memref<128x128xi32, #tpu.memory_space<hbm>> -> memref<1x128xi32, #tpu.memory_space<hbm>>
      %dma_wait3A_139 = tpu.memref_squeeze %dma_wait3A_138 : memref<1x128xi32, #tpu.memory_space<hbm>> -> memref<128xi32, #tpu.memory_space<hbm>>
      %dma_wait3A_140 = arith.constant 0 : i32
      %dma_wait3A_141 = tpu.memref_slice %arg6[%add3A_62, %dma_wait3A_140] : memref<128x128xi32, #tpu.memory_space<hbm>> -> memref<1x128xi32, #tpu.memory_space<hbm>>
      %dma_wait3A_142 = tpu.memref_squeeze %dma_wait3A_141 : memref<1x128xi32, #tpu.memory_space<hbm>> -> memref<128xi32, #tpu.memory_space<hbm>>
      tpu.wait_dma2 semaphore(%run_scoped3A : memref<!tpu.dma_semaphore, #tpu.memory_space<semaphore_mem>>) src(%arg10 : memref<128xi32, #tpu.memory_space<vmem>>) dst(%dma_wait3A_142 : memref<128xi32, #tpu.memory_space<hbm>>)
      tpu.yield
    }) : () -> ()
    %mul3A_63 = arith.constant 4 : i32
    %mul3A_64 = arith.muli %add3A, %mul3A_63 : i32
    %add3A_65 = arith.constant 3 : i32
    %add3A_66 = arith.addi %mul3A_64, %add3A_65 : i32
    "tpu.region"() ({
      %run_scoped3A = tpu.sem_alloc : memref<!tpu.dma_semaphore, #tpu.memory_space<semaphore_mem>>
      %dma_start3A_131 = arith.constant 0 : i32
      %dma_start3A_132 = tpu.memref_slice %arg6[%add3A_66, %dma_start3A_131] : memref<128x128xi32, #tpu.memory_space<hbm>> -> memref<1x128xi32, #tpu.memory_space<hbm>>
      %dma_start3A_133 = tpu.memref_squeeze %dma_start3A_132 : memref<1x128xi32, #tpu.memory_space<hbm>> -> memref<128xi32, #tpu.memory_space<hbm>>
      %dma_start3A_134 = arith.constant 0 : i32
      %dma_start3A_135 = tpu.memref_slice %arg6[%add3A_66, %dma_start3A_134] : memref<128x128xi32, #tpu.memory_space<hbm>> -> memref<1x128xi32, #tpu.memory_space<hbm>>
      %dma_start3A_136 = tpu.memref_squeeze %dma_start3A_135 : memref<1x128xi32, #tpu.memory_space<hbm>> -> memref<128xi32, #tpu.memory_space<hbm>>
      tpu.enqueue_dma source(%arg11 : memref<128xi32, #tpu.memory_space<vmem>>) target(%dma_start3A_136 : memref<128xi32, #tpu.memory_space<hbm>>) target_semaphore(%run_scoped3A : memref<!tpu.dma_semaphore, #tpu.memory_space<semaphore_mem>>)
      %dma_wait3A_137 = arith.constant 0 : i32
      %dma_wait3A_138 = tpu.memref_slice %arg6[%add3A_66, %dma_wait3A_137] : memref<128x128xi32, #tpu.memory_space<hbm>> -> memref<1x128xi32, #tpu.memory_space<hbm>>
      %dma_wait3A_139 = tpu.memref_squeeze %dma_wait3A_138 : memref<1x128xi32, #tpu.memory_space<hbm>> -> memref<128xi32, #tpu.memory_space<hbm>>
      %dma_wait3A_140 = arith.constant 0 : i32
      %dma_wait3A_141 = tpu.memref_slice %arg6[%add3A_66, %dma_wait3A_140] : memref<128x128xi32, #tpu.memory_space<hbm>> -> memref<1x128xi32, #tpu.memory_space<hbm>>
      %dma_wait3A_142 = tpu.memref_squeeze %dma_wait3A_141 : memref<1x128xi32, #tpu.memory_space<hbm>> -> memref<128xi32, #tpu.memory_space<hbm>>
      tpu.wait_dma2 semaphore(%run_scoped3A : memref<!tpu.dma_semaphore, #tpu.memory_space<semaphore_mem>>) src(%arg11 : memref<128xi32, #tpu.memory_space<vmem>>) dst(%dma_wait3A_142 : memref<128xi32, #tpu.memory_space<hbm>>)
      tpu.yield
    }) : () -> ()
    %dma_start3A_67 = arith.constant 0 : i32
    %dma_start3A_68 = arith.constant 0 : i32
    %dma_start3A_69 = tpu.memref_slice %arg4[%dma_start3A_67, %dma_start3A_68] : memref<1024x256xf32, #tpu.memory_space<hbm>> -> memref<1024x256xf32, #tpu.memory_space<hbm>>
    tpu.enqueue_indirect_dma source(%dma_start3A_69 : memref<1024x256xf32, #tpu.memory_space<hbm>>) target(%arg12 : memref<128x256xf32, #tpu.memory_space<vmem>>) offsets(%arg8 : memref<128xi32, #tpu.memory_space<vmem>>) semaphore(%arg14 : memref<!tpu.dma_semaphore, #tpu.memory_space<semaphore_mem>>)
    %dma_wait3A_70 = arith.constant 0 : i32
    %dma_wait3A_71 = arith.constant 0 : i32
    %dma_wait3A_72 = tpu.memref_slice %arg4[%dma_wait3A_70, %dma_wait3A_71] : memref<1024x256xf32, #tpu.memory_space<hbm>> -> memref<1024x256xf32, #tpu.memory_space<hbm>>
    tpu.wait_indirect_dma semaphore(%arg14 : memref<!tpu.dma_semaphore, #tpu.memory_space<semaphore_mem>>) src(%dma_wait3A_72 : memref<1024x256xf32, #tpu.memory_space<hbm>>) dst(%arg12 : memref<128x256xf32, #tpu.memory_space<vmem>>)
    %add3A_73 = arith.constant 0 : i32
    %add3A_74 = arith.addi %mul3A_2, %add3A_73 : i32
    %dma_start3A_75 = arith.constant 0 : i32
    %dma_start3A_76 = tpu.memref_slice %arg5[%add3A_74, %dma_start3A_75] : memref<16384x256xf32, #tpu.memory_space<hbm>> -> memref<128x256xf32, #tpu.memory_space<hbm>>
    %dma_start3A_77 = arith.constant 0 : i32
    %dma_start3A_78 = tpu.memref_slice %arg5[%add3A_74, %dma_start3A_77] : memref<16384x256xf32, #tpu.memory_space<hbm>> -> memref<128x256xf32, #tpu.memory_space<hbm>>
    tpu.enqueue_dma source(%arg12 : memref<128x256xf32, #tpu.memory_space<vmem>>) target(%dma_start3A_78 : memref<128x256xf32, #tpu.memory_space<hbm>>) target_semaphore(%arg14 : memref<!tpu.dma_semaphore, #tpu.memory_space<semaphore_mem>>)
    %dma_start3A_79 = arith.constant 0 : i32
    %dma_start3A_80 = arith.constant 0 : i32
    %dma_start3A_81 = tpu.memref_slice %arg4[%dma_start3A_79, %dma_start3A_80] : memref<1024x256xf32, #tpu.memory_space<hbm>> -> memref<1024x256xf32, #tpu.memory_space<hbm>>
    tpu.enqueue_indirect_dma source(%dma_start3A_81 : memref<1024x256xf32, #tpu.memory_space<hbm>>) target(%arg13 : memref<128x256xf32, #tpu.memory_space<vmem>>) offsets(%arg9 : memref<128xi32, #tpu.memory_space<vmem>>) semaphore(%arg15 : memref<!tpu.dma_semaphore, #tpu.memory_space<semaphore_mem>>)
    %dma_wait3A_82 = arith.constant 0 : i32
    %dma_wait3A_83 = arith.constant 0 : i32
    %dma_wait3A_84 = tpu.memref_slice %arg4[%dma_wait3A_82, %dma_wait3A_83] : memref<1024x256xf32, #tpu.memory_space<hbm>> -> memref<1024x256xf32, #tpu.memory_space<hbm>>
    tpu.wait_indirect_dma semaphore(%arg15 : memref<!tpu.dma_semaphore, #tpu.memory_space<semaphore_mem>>) src(%dma_wait3A_84 : memref<1024x256xf32, #tpu.memory_space<hbm>>) dst(%arg13 : memref<128x256xf32, #tpu.memory_space<vmem>>)
    %add3A_85 = arith.constant 128 : i32
    %add3A_86 = arith.addi %mul3A_2, %add3A_85 : i32
    %dma_start3A_87 = arith.constant 0 : i32
    %dma_start3A_88 = tpu.memref_slice %arg5[%add3A_86, %dma_start3A_87] : memref<16384x256xf32, #tpu.memory_space<hbm>> -> memref<128x256xf32, #tpu.memory_space<hbm>>
    %dma_start3A_89 = arith.constant 0 : i32
    %dma_start3A_90 = tpu.memref_slice %arg5[%add3A_86, %dma_start3A_89] : memref<16384x256xf32, #tpu.memory_space<hbm>> -> memref<128x256xf32, #tpu.memory_space<hbm>>
    tpu.enqueue_dma source(%arg13 : memref<128x256xf32, #tpu.memory_space<vmem>>) target(%dma_start3A_90 : memref<128x256xf32, #tpu.memory_space<hbm>>) target_semaphore(%arg15 : memref<!tpu.dma_semaphore, #tpu.memory_space<semaphore_mem>>)
    %dma_wait3A_91 = arith.constant 0 : i32
    %dma_wait3A_92 = tpu.memref_slice %arg5[%add3A_74, %dma_wait3A_91] : memref<16384x256xf32, #tpu.memory_space<hbm>> -> memref<128x256xf32, #tpu.memory_space<hbm>>
    %dma_wait3A_93 = arith.constant 0 : i32
    %dma_wait3A_94 = tpu.memref_slice %arg5[%add3A_74, %dma_wait3A_93] : memref<16384x256xf32, #tpu.memory_space<hbm>> -> memref<128x256xf32, #tpu.memory_space<hbm>>
    tpu.wait_dma2 semaphore(%arg14 : memref<!tpu.dma_semaphore, #tpu.memory_space<semaphore_mem>>) src(%arg12 : memref<128x256xf32, #tpu.memory_space<vmem>>) dst(%dma_wait3A_94 : memref<128x256xf32, #tpu.memory_space<hbm>>)
    %dma_start3A_95 = arith.constant 0 : i32
    %dma_start3A_96 = arith.constant 0 : i32
    %dma_start3A_97 = tpu.memref_slice %arg4[%dma_start3A_95, %dma_start3A_96] : memref<1024x256xf32, #tpu.memory_space<hbm>> -> memref<1024x256xf32, #tpu.memory_space<hbm>>
    tpu.enqueue_indirect_dma source(%dma_start3A_97 : memref<1024x256xf32, #tpu.memory_space<hbm>>) target(%arg12 : memref<128x256xf32, #tpu.memory_space<vmem>>) offsets(%arg10 : memref<128xi32, #tpu.memory_space<vmem>>) semaphore(%arg14 : memref<!tpu.dma_semaphore, #tpu.memory_space<semaphore_mem>>)
    %dma_wait3A_98 = arith.constant 0 : i32
    %dma_wait3A_99 = arith.constant 0 : i32
    %dma_wait3A_100 = tpu.memref_slice %arg4[%dma_wait3A_98, %dma_wait3A_99] : memref<1024x256xf32, #tpu.memory_space<hbm>> -> memref<1024x256xf32, #tpu.memory_space<hbm>>
    tpu.wait_indirect_dma semaphore(%arg14 : memref<!tpu.dma_semaphore, #tpu.memory_space<semaphore_mem>>) src(%dma_wait3A_100 : memref<1024x256xf32, #tpu.memory_space<hbm>>) dst(%arg12 : memref<128x256xf32, #tpu.memory_space<vmem>>)
    %add3A_101 = arith.constant 256 : i32
    %add3A_102 = arith.addi %mul3A_2, %add3A_101 : i32
    %dma_start3A_103 = arith.constant 0 : i32
    %dma_start3A_104 = tpu.memref_slice %arg5[%add3A_102, %dma_start3A_103] : memref<16384x256xf32, #tpu.memory_space<hbm>> -> memref<128x256xf32, #tpu.memory_space<hbm>>
    %dma_start3A_105 = arith.constant 0 : i32
    %dma_start3A_106 = tpu.memref_slice %arg5[%add3A_102, %dma_start3A_105] : memref<16384x256xf32, #tpu.memory_space<hbm>> -> memref<128x256xf32, #tpu.memory_space<hbm>>
    tpu.enqueue_dma source(%arg12 : memref<128x256xf32, #tpu.memory_space<vmem>>) target(%dma_start3A_106 : memref<128x256xf32, #tpu.memory_space<hbm>>) target_semaphore(%arg14 : memref<!tpu.dma_semaphore, #tpu.memory_space<semaphore_mem>>)
    %dma_wait3A_107 = arith.constant 0 : i32
    %dma_wait3A_108 = tpu.memref_slice %arg5[%add3A_86, %dma_wait3A_107] : memref<16384x256xf32, #tpu.memory_space<hbm>> -> memref<128x256xf32, #tpu.memory_space<hbm>>
    %dma_wait3A_109 = arith.constant 0 : i32
    %dma_wait3A_110 = tpu.memref_slice %arg5[%add3A_86, %dma_wait3A_109] : memref<16384x256xf32, #tpu.memory_space<hbm>> -> memref<128x256xf32, #tpu.memory_space<hbm>>
    tpu.wait_dma2 semaphore(%arg15 : memref<!tpu.dma_semaphore, #tpu.memory_space<semaphore_mem>>) src(%arg13 : memref<128x256xf32, #tpu.memory_space<vmem>>) dst(%dma_wait3A_110 : memref<128x256xf32, #tpu.memory_space<hbm>>)
    %dma_start3A_111 = arith.constant 0 : i32
    %dma_start3A_112 = arith.constant 0 : i32
    %dma_start3A_113 = tpu.memref_slice %arg4[%dma_start3A_111, %dma_start3A_112] : memref<1024x256xf32, #tpu.memory_space<hbm>> -> memref<1024x256xf32, #tpu.memory_space<hbm>>
    tpu.enqueue_indirect_dma source(%dma_start3A_113 : memref<1024x256xf32, #tpu.memory_space<hbm>>) target(%arg13 : memref<128x256xf32, #tpu.memory_space<vmem>>) offsets(%arg11 : memref<128xi32, #tpu.memory_space<vmem>>) semaphore(%arg15 : memref<!tpu.dma_semaphore, #tpu.memory_space<semaphore_mem>>)
    %dma_wait3A_114 = arith.constant 0 : i32
    %dma_wait3A_115 = arith.constant 0 : i32
    %dma_wait3A_116 = tpu.memref_slice %arg4[%dma_wait3A_114, %dma_wait3A_115] : memref<1024x256xf32, #tpu.memory_space<hbm>> -> memref<1024x256xf32, #tpu.memory_space<hbm>>
    tpu.wait_indirect_dma semaphore(%arg15 : memref<!tpu.dma_semaphore, #tpu.memory_space<semaphore_mem>>) src(%dma_wait3A_116 : memref<1024x256xf32, #tpu.memory_space<hbm>>) dst(%arg13 : memref<128x256xf32, #tpu.memory_space<vmem>>)
    %add3A_117 = arith.constant 384 : i32
    %add3A_118 = arith.addi %mul3A_2, %add3A_117 : i32
    %dma_start3A_119 = arith.constant 0 : i32
    %dma_start3A_120 = tpu.memref_slice %arg5[%add3A_118, %dma_start3A_119] : memref<16384x256xf32, #tpu.memory_space<hbm>> -> memref<128x256xf32, #tpu.memory_space<hbm>>
    %dma_start3A_121 = arith.constant 0 : i32
    %dma_start3A_122 = tpu.memref_slice %arg5[%add3A_118, %dma_start3A_121] : memref<16384x256xf32, #tpu.memory_space<hbm>> -> memref<128x256xf32, #tpu.memory_space<hbm>>
    tpu.enqueue_dma source(%arg13 : memref<128x256xf32, #tpu.memory_space<vmem>>) target(%dma_start3A_122 : memref<128x256xf32, #tpu.memory_space<hbm>>) target_semaphore(%arg15 : memref<!tpu.dma_semaphore, #tpu.memory_space<semaphore_mem>>)
    %dma_wait3A_123 = arith.constant 0 : i32
    %dma_wait3A_124 = tpu.memref_slice %arg5[%add3A_102, %dma_wait3A_123] : memref<16384x256xf32, #tpu.memory_space<hbm>> -> memref<128x256xf32, #tpu.memory_space<hbm>>
    %dma_wait3A_125 = arith.constant 0 : i32
    %dma_wait3A_126 = tpu.memref_slice %arg5[%add3A_102, %dma_wait3A_125] : memref<16384x256xf32, #tpu.memory_space<hbm>> -> memref<128x256xf32, #tpu.memory_space<hbm>>
    tpu.wait_dma2 semaphore(%arg14 : memref<!tpu.dma_semaphore, #tpu.memory_space<semaphore_mem>>) src(%arg12 : memref<128x256xf32, #tpu.memory_space<vmem>>) dst(%dma_wait3A_126 : memref<128x256xf32, #tpu.memory_space<hbm>>)
    %dma_wait3A_127 = arith.constant 0 : i32
    %dma_wait3A_128 = tpu.memref_slice %arg5[%add3A_118, %dma_wait3A_127] : memref<16384x256xf32, #tpu.memory_space<hbm>> -> memref<128x256xf32, #tpu.memory_space<hbm>>
    %dma_wait3A_129 = arith.constant 0 : i32
    %dma_wait3A_130 = tpu.memref_slice %arg5[%add3A_118, %dma_wait3A_129] : memref<16384x256xf32, #tpu.memory_space<hbm>> -> memref<128x256xf32, #tpu.memory_space<hbm>>
    tpu.wait_dma2 semaphore(%arg15 : memref<!tpu.dma_semaphore, #tpu.memory_space<semaphore_mem>>) src(%arg13 : memref<128x256xf32, #tpu.memory_space<vmem>>) dst(%dma_wait3A_130 : memref<128x256xf32, #tpu.memory_space<hbm>>)
    return
  }
}

module attributes {stable_mosaic.version = 14 : i64} {
  func.func @_tc_body(%arg0: i32, %arg1: memref<1x1xf32, #tpu.memory_space<vmem>>, %arg2: memref<512x256xf32, #tpu.memory_space<vmem>>, %arg3: memref<512x256xf32, #tpu.memory_space<vmem>>, %arg4: memref<512x1xi32, #tpu.memory_space<vmem>>, %arg5: memref<256x256xf32, #tpu.memory_space<vmem>>, %arg6: memref<1x256xf32, #tpu.memory_space<vmem>>, %arg7: memref<1024x256xf32, #tpu.memory_space<vmem>>, %arg8: memref<1024x256xf32, #tpu.memory_space<vmem>>, %arg9: memref<512x256xf32, #tpu.memory_space<vmem>>, %arg10: memref<1x1xf32, #tpu.memory_space<vmem>>, %arg11: memref<1x1xf32, #tpu.memory_space<vmem>>, %arg12: memref<1024x256xf32, #tpu.memory_space<vmem>>, %arg13: memref<1x1024xf32, #tpu.memory_space<vmem>>, %arg14: memref<1x1xf32, #tpu.memory_space<vmem>>) attributes {dimension_semantics = [#tpu.dimension_semantics<arbitrary>], iteration_bounds = array<i64: 32>, scalar_prefetch = 0 : i64, scratch_operands = 3 : i64, tpu.core_type = #tpu.core_type<tc>, window_params = [{pipeline_mode = #tpu.pipeline_mode<synchronous>, transform_indices = @transform_0, window_bounds = array<i64: 1, 1>}, {transform_indices = @transform_1, window_bounds = array<i64: 512, 256>}, {transform_indices = @transform_2, window_bounds = array<i64: 512, 256>}, {transform_indices = @transform_3, window_bounds = array<i64: 512, 1>}, {pipeline_mode = #tpu.pipeline_mode<synchronous>, transform_indices = @transform_4, window_bounds = array<i64: 256, 256>}, {pipeline_mode = #tpu.pipeline_mode<synchronous>, transform_indices = @transform_5, window_bounds = array<i64: 1, 256>}, {pipeline_mode = #tpu.pipeline_mode<synchronous>, transform_indices = @transform_6, window_bounds = array<i64: 1024, 256>}, {pipeline_mode = #tpu.pipeline_mode<synchronous>, transform_indices = @transform_7, window_bounds = array<i64: 1024, 256>}, {transform_indices = @transform_8, window_bounds = array<i64: 512, 256>}, {pipeline_mode = #tpu.pipeline_mode<synchronous>, transform_indices = @transform_9, window_bounds = array<i64: 1, 1>}, {pipeline_mode = #tpu.pipeline_mode<synchronous>, transform_indices = @transform_10, window_bounds = array<i64: 1, 1>}]} {
    %eq3A = arith.constant 0 : i32
    %eq3A_0 = arith.cmpi eq, %arg0, %eq3A : i32
    %convert_element_type3A = arith.extui %eq3A_0 : i1 to i32
    %cond3A = arith.constant 0 : i32
    %cond3A_1 = arith.cmpi ne, %convert_element_type3A, %cond3A : i32
    scf.if %cond3A_1 {
      %broadcast_in_dim3A_71 = arith.constant 0.000000e+00 : f32
      %broadcast_in_dim3A_72 = vector.broadcast %broadcast_in_dim3A_71 : f32 to vector<1024x256xf32>
      %swap3A_73 = arith.constant 0 : index
      %swap3A_74 = arith.constant 0 : index
      %swap3A_75 = vector.load %arg12[%swap3A_73, %swap3A_74] : memref<1024x256xf32, #tpu.memory_space<vmem>>, vector<1024x256xf32>
      tpu.vector_store %arg12[%swap3A_73, %swap3A_74], %broadcast_in_dim3A_72 {strides = array<i32>} : memref<1024x256xf32, #tpu.memory_space<vmem>>, vector<1024x256xf32>,
      %broadcast_in_dim3A_76 = arith.constant 0.000000e+00 : f32
      %broadcast_in_dim3A_77 = vector.broadcast %broadcast_in_dim3A_76 : f32 to vector<1x1024xf32>
      %swap3A_78 = arith.constant 0 : index
      %swap3A_79 = arith.constant 0 : index
      %swap3A_80 = vector.load %arg13[%swap3A_78, %swap3A_79] : memref<1x1024xf32, #tpu.memory_space<vmem>>, vector<1x1024xf32>
      tpu.vector_store %arg13[%swap3A_78, %swap3A_79], %broadcast_in_dim3A_77 {strides = array<i32>} : memref<1x1024xf32, #tpu.memory_space<vmem>>, vector<1x1024xf32>,
      %broadcast_in_dim3A_81 = arith.constant 0.000000e+00 : f32
      %broadcast_in_dim3A_82 = vector.broadcast %broadcast_in_dim3A_81 : f32 to vector<1x1xf32>
      %swap3A_83 = arith.constant 0 : index
      %swap3A_84 = arith.constant 0 : index
      %swap3A_85 = vector.load %arg14[%swap3A_83, %swap3A_84] : memref<1x1xf32, #tpu.memory_space<vmem>>, vector<1x1xf32>
      tpu.vector_store %arg14[%swap3A_83, %swap3A_84], %broadcast_in_dim3A_82 {strides = array<i32>} : memref<1x1xf32, #tpu.memory_space<vmem>>, vector<1x1xf32>,
    } else {
    }
    %get3A = arith.constant 0 : index
    %get3A_2 = arith.constant 0 : index
    %get3A_3 = vector.load %arg2[%get3A, %get3A_2] : memref<512x256xf32, #tpu.memory_space<vmem>>, vector<512x256xf32>
    %get3A_4 = arith.constant 0 : index
    %get3A_5 = arith.constant 0 : index
    %get3A_6 = vector.load %arg1[%get3A_4, %get3A_5] : memref<1x1xf32, #tpu.memory_space<vmem>>, vector<1x1xf32>
    %get3A_7 = arith.constant 0 : index
    %get3A_8 = arith.constant 0 : index
    %get3A_9 = vector.load %arg3[%get3A_7, %get3A_8] : memref<512x256xf32, #tpu.memory_space<vmem>>, vector<512x256xf32>
    %mul3A = vector.broadcast %get3A_6 : vector<1x1xf32> to vector<512x256xf32>
    %mul3A_10 = arith.mulf %mul3A, %get3A_9 : vector<512x256xf32>
    %add3A = arith.addf %get3A_3, %mul3A_10 : vector<512x256xf32>
    %get3A_11 = arith.constant 0 : index
    %get3A_12 = arith.constant 0 : index
    %get3A_13 = vector.load %arg5[%get3A_11, %get3A_12] : memref<256x256xf32, #tpu.memory_space<vmem>>, vector<256x256xf32>
    %dot_general3A = arith.constant dense<0.000000e+00> : vector<512x256xf32>
    %dot_general3A_14 = tpu.matmul %add3A, %get3A_13, %dot_general3A {dimension_numbers = #tpu.dot_dimension_numbers<[1], [0], [0], [1], [0, 0, 1, 1], [], []>, transpose_lhs_hint = false} : vector<512x256xf32>, vector<256x256xf32>, vector<512x256xf32> -> vector<512x256xf32>
    %get3A_15 = arith.constant 0 : index
    %get3A_16 = arith.constant 0 : index
    %get3A_17 = vector.load %arg6[%get3A_15, %get3A_16] : memref<1x256xf32, #tpu.memory_space<vmem>>, vector<1x256xf32>
    %mul3A_18 = arith.constant 2.000000e+00 : f32
    %mul3A_19 = vector.broadcast %mul3A_18 : f32 to vector<1x256xf32>
    %mul3A_20 = arith.mulf %mul3A_19, %get3A_17 : vector<1x256xf32>
    %add3A_21 = vector.broadcast %mul3A_20 : vector<1x256xf32> to vector<512x256xf32>
    %add3A_22 = arith.addf %dot_general3A_14, %add3A_21 : vector<512x256xf32>
    %swap3A = arith.constant 0 : index
    %swap3A_23 = arith.constant 0 : index
    %swap3A_24 = vector.load %arg9[%swap3A, %swap3A_23] : memref<512x256xf32, #tpu.memory_space<vmem>>, vector<512x256xf32>
    tpu.vector_store %arg9[%swap3A, %swap3A_23], %add3A_22 {strides = array<i32>} : memref<512x256xf32, #tpu.memory_space<vmem>>, vector<512x256xf32>,
    %mul3A_25 = arith.mulf %get3A_3, %get3A_3 : vector<512x256xf32>
    %reduce_sum3A = arith.constant dense<0.000000e+00> : vector<512xf32>
    %reduce_sum3A_26 = vector.multi_reduction <add>, %mul3A_25, %reduce_sum3A [1] : vector<512x256xf32> to vector<512xf32>
    %broadcast_in_dim3A = vector.shape_cast %reduce_sum3A_26 : vector<512xf32> to vector<512x1xf32>
    %get3A_27 = arith.constant 0 : index
    %get3A_28 = arith.constant 0 : index
    %get3A_29 = vector.load %arg14[%get3A_27, %get3A_28] : memref<1x1xf32, #tpu.memory_space<vmem>>, vector<1x1xf32>
    %sqrt3A = math.sqrt %broadcast_in_dim3A : vector<512x1xf32>
    %reduce_sum3A_30 = vector.shape_cast %sqrt3A : vector<512x1xf32> to vector<1x512x1xf32>
    %reduce_sum3A_31 = arith.constant dense<0.000000e+00> : vector<1xf32>
    %reduce_sum3A_32 = vector.multi_reduction <add>, %reduce_sum3A_30, %reduce_sum3A_31 [1, 2] : vector<1x512x1xf32> to vector<1xf32>
    %reduce_sum3A_33 = vector.shape_cast %reduce_sum3A_32 : vector<1xf32> to vector<1x1x1xf32>
    %reduce_sum3A_34 = vector.extract %reduce_sum3A_33[0, 0, 0] : f32 from vector<1x1x1xf32>
    %broadcast_in_dim3A_35 = vector.broadcast %reduce_sum3A_34 : f32 to vector<1x1xf32>
    %add3A_36 = arith.addf %get3A_29, %broadcast_in_dim3A_35 : vector<1x1xf32>
    %swap3A_37 = arith.constant 0 : index
    %swap3A_38 = arith.constant 0 : index
    %swap3A_39 = vector.load %arg14[%swap3A_37, %swap3A_38] : memref<1x1xf32, #tpu.memory_space<vmem>>, vector<1x1xf32>
    tpu.vector_store %arg14[%swap3A_37, %swap3A_38], %add3A_36 {strides = array<i32>} : memref<1x1xf32, #tpu.memory_space<vmem>>, vector<1x1xf32>,
    %iota3A = tpu.iota {dimensions = array<i32: 1>} : vector<512x1024xi32>
    %get3A_40 = arith.constant 0 : index
    %get3A_41 = arith.constant 0 : index
    %get3A_42 = vector.load %arg4[%get3A_40, %get3A_41] : memref<512x1xi32, #tpu.memory_space<vmem>>, vector<512x1xi32>
    %eq3A_43 = vector.broadcast %get3A_42 : vector<512x1xi32> to vector<512x1024xi32>
    %eq3A_44 = arith.cmpi eq, %eq3A_43, %iota3A : vector<512x1024xi32>
    %convert_element_type3A_45 = arith.extui %eq3A_44 : vector<512x1024xi1> to vector<512x1024xi32>
    %convert_element_type3A_46 = arith.sitofp %convert_element_type3A_45 : vector<512x1024xi32> to vector<512x1024xf32>
    %get3A_47 = arith.constant 0 : index
    %get3A_48 = arith.constant 0 : index
    %get3A_49 = vector.load %arg12[%get3A_47, %get3A_48] : memref<1024x256xf32, #tpu.memory_space<vmem>>, vector<1024x256xf32>
    %dot_general3A_50 = arith.constant dense<0.000000e+00> : vector<1024x256xf32>
    %dot_general3A_51 = tpu.matmul %convert_element_type3A_46, %get3A_3, %dot_general3A_50 {dimension_numbers = #tpu.dot_dimension_numbers<[0], [0], [1], [1], [0, 1, 1, 1], [], []>, transpose_lhs_hint = false} : vector<512x1024xf32>, vector<512x256xf32>, vector<1024x256xf32> -> vector<1024x256xf32>
    %add3A_52 = arith.addf %get3A_49, %dot_general3A_51 : vector<1024x256xf32>
    %swap3A_53 = arith.constant 0 : index
    %swap3A_54 = arith.constant 0 : index
    %swap3A_55 = vector.load %arg12[%swap3A_53, %swap3A_54] : memref<1024x256xf32, #tpu.memory_space<vmem>>, vector<1024x256xf32>
    tpu.vector_store %arg12[%swap3A_53, %swap3A_54], %add3A_52 {strides = array<i32>} : memref<1024x256xf32, #tpu.memory_space<vmem>>, vector<1024x256xf32>,
    %get3A_56 = arith.constant 0 : index
    %get3A_57 = arith.constant 0 : index
    %get3A_58 = vector.load %arg13[%get3A_56, %get3A_57] : memref<1x1024xf32, #tpu.memory_space<vmem>>, vector<1x1024xf32>
    %reduce_sum3A_59 = arith.constant dense<0.000000e+00> : vector<1024xf32>
    %reduce_sum3A_60 = vector.multi_reduction <add>, %convert_element_type3A_46, %reduce_sum3A_59 [0] : vector<512x1024xf32> to vector<1024xf32>
    %broadcast_in_dim3A_61 = vector.shape_cast %reduce_sum3A_60 : vector<1024xf32> to vector<1x1024xf32>
    %add3A_62 = arith.addf %get3A_58, %broadcast_in_dim3A_61 : vector<1x1024xf32>
    %swap3A_63 = arith.constant 0 : index
    %swap3A_64 = arith.constant 0 : index
    %swap3A_65 = vector.load %arg13[%swap3A_63, %swap3A_64] : memref<1x1024xf32, #tpu.memory_space<vmem>>, vector<1x1024xf32>
    tpu.vector_store %arg13[%swap3A_63, %swap3A_64], %add3A_62 {strides = array<i32>} : memref<1x1024xf32, #tpu.memory_space<vmem>>, vector<1x1024xf32>,
    %eq3A_66 = arith.constant 31 : i32
    %eq3A_67 = arith.cmpi eq, %arg0, %eq3A_66 : i32
    %convert_element_type3A_68 = arith.extui %eq3A_67 : i1 to i32
    %cond3A_69 = arith.constant 0 : i32
    %cond3A_70 = arith.cmpi ne, %convert_element_type3A_68, %cond3A_69 : i32
    scf.if %cond3A_70 {
      %get3A_71 = arith.constant 0 : index
      %get3A_72 = arith.constant 0 : index
      %get3A_73 = vector.load %arg1[%get3A_71, %get3A_72] : memref<1x1xf32, #tpu.memory_space<vmem>>, vector<1x1xf32>
      %get3A_74 = arith.constant 0 : index
      %get3A_75 = arith.constant 0 : index
      %get3A_76 = vector.load %arg7[%get3A_74, %get3A_75] : memref<1024x256xf32, #tpu.memory_space<vmem>>, vector<1024x256xf32>
      %mul3A_77 = vector.broadcast %get3A_73 : vector<1x1xf32> to vector<1024x256xf32>
      %mul3A_78 = arith.mulf %mul3A_77, %get3A_76 : vector<1024x256xf32>
      %get3A_79 = arith.constant 0 : index
      %get3A_80 = arith.constant 0 : index
      %get3A_81 = vector.load %arg12[%get3A_79, %get3A_80] : memref<1024x256xf32, #tpu.memory_space<vmem>>, vector<1024x256xf32>
      %add3A_82 = arith.addf %mul3A_78, %get3A_81 : vector<1024x256xf32>
      %get3A_83 = arith.constant 0 : index
      %get3A_84 = arith.constant 0 : index
      %get3A_85 = vector.load %arg5[%get3A_83, %get3A_84] : memref<256x256xf32, #tpu.memory_space<vmem>>, vector<256x256xf32>
      %dot_general3A_86 = arith.constant dense<0.000000e+00> : vector<1024x256xf32>
      %dot_general3A_87 = tpu.matmul %add3A_82, %get3A_85, %dot_general3A_86 {dimension_numbers = #tpu.dot_dimension_numbers<[1], [0], [0], [1], [0, 0, 1, 1], [], []>, transpose_lhs_hint = false} : vector<1024x256xf32>, vector<256x256xf32>, vector<1024x256xf32> -> vector<1024x256xf32>
      %get3A_88 = arith.constant 0 : index
      %get3A_89 = arith.constant 0 : index
      %get3A_90 = vector.load %arg8[%get3A_88, %get3A_89] : memref<1024x256xf32, #tpu.memory_space<vmem>>, vector<1024x256xf32>
      %mul3A_91 = arith.mulf %dot_general3A_87, %get3A_90 : vector<1024x256xf32>
      %reduce_sum3A_92 = vector.shape_cast %mul3A_91 : vector<1024x256xf32> to vector<1x1024x256xf32>
      %reduce_sum3A_93 = arith.constant dense<0.000000e+00> : vector<1xf32>
      %reduce_sum3A_94 = vector.multi_reduction <add>, %reduce_sum3A_92, %reduce_sum3A_93 [1, 2] : vector<1x1024x256xf32> to vector<1xf32>
      %reduce_sum3A_95 = vector.shape_cast %reduce_sum3A_94 : vector<1xf32> to vector<1x1x1xf32>
      %reduce_sum3A_96 = vector.extract %reduce_sum3A_95[0, 0, 0] : f32 from vector<1x1x1xf32>
      %broadcast_in_dim3A_97 = vector.broadcast %reduce_sum3A_96 : f32 to vector<1x1xf32>
      %get3A_98 = arith.constant 0 : index
      %get3A_99 = arith.constant 0 : index
      %get3A_100 = vector.load %arg6[%get3A_98, %get3A_99] : memref<1x256xf32, #tpu.memory_space<vmem>>, vector<1x256xf32>
      %mul3A_101 = vector.broadcast %get3A_100 : vector<1x256xf32> to vector<1024x256xf32>
      %mul3A_102 = arith.mulf %get3A_90, %mul3A_101 : vector<1024x256xf32>
      %reduce_sum3A_103 = arith.constant dense<0.000000e+00> : vector<1024xf32>
      %reduce_sum3A_104 = vector.multi_reduction <add>, %mul3A_102, %reduce_sum3A_103 [1] : vector<1024x256xf32> to vector<1024xf32>
      %broadcast_in_dim3A_105 = vector.shape_cast %reduce_sum3A_104 : vector<1024xf32> to vector<1024x1xf32>
      %get3A_106 = arith.constant 0 : index
      %get3A_107 = arith.constant 0 : index
      %get3A_108 = vector.load %arg13[%get3A_106, %get3A_107] : memref<1x1024xf32, #tpu.memory_space<vmem>>, vector<1x1024xf32>
      %add3A_109 = arith.constant 1.000000e+00 : f32
      %add3A_110 = vector.broadcast %add3A_109 : f32 to vector<1x1024xf32>
      %add3A_111 = arith.addf %add3A_110, %get3A_108 : vector<1x1024xf32>
      %dot_general3A_112 = arith.constant dense<0.000000e+00> : vector<1x1xf32>
      %dot_general3A_113 = tpu.matmul %add3A_111, %broadcast_in_dim3A_105, %dot_general3A_112 {dimension_numbers = #tpu.dot_dimension_numbers<[1], [0], [0], [1], [0, 0, 1, 1], [], []>, transpose_lhs_hint = false} : vector<1x1024xf32>, vector<1024x1xf32>, vector<1x1xf32> -> vector<1x1xf32>
      %add3A_114 = arith.addf %broadcast_in_dim3A_97, %dot_general3A_113 : vector<1x1xf32>
      %mul3A_115 = arith.mulf %get3A_73, %add3A_114 : vector<1x1xf32>
      %swap3A_116 = arith.constant 0 : index
      %swap3A_117 = arith.constant 0 : index
      %swap3A_118 = vector.load %arg10[%swap3A_116, %swap3A_117] : memref<1x1xf32, #tpu.memory_space<vmem>>, vector<1x1xf32>
      tpu.vector_store %arg10[%swap3A_116, %swap3A_117], %mul3A_115 {strides = array<i32>} : memref<1x1xf32, #tpu.memory_space<vmem>>, vector<1x1xf32>,
      %get3A_119 = arith.constant 0 : index
      %get3A_120 = arith.constant 0 : index
      %get3A_121 = vector.load %arg14[%get3A_119, %get3A_120] : memref<1x1xf32, #tpu.memory_space<vmem>>, vector<1x1xf32>
      %div3A = arith.constant 1.638400e+04 : f32
      %div3A_122 = vector.broadcast %div3A : f32 to vector<1x1xf32>
      %div3A_123 = arith.divf %get3A_121, %div3A_122 : vector<1x1xf32>
      %swap3A_124 = arith.constant 0 : index
      %swap3A_125 = arith.constant 0 : index
      %swap3A_126 = vector.load %arg11[%swap3A_124, %swap3A_125] : memref<1x1xf32, #tpu.memory_space<vmem>>, vector<1x1xf32>
      tpu.vector_store %arg11[%swap3A_124, %swap3A_125], %div3A_123 {strides = array<i32>} : memref<1x1xf32, #tpu.memory_space<vmem>>, vector<1x1xf32>,
    } else {
    }
    return
  }
  func.func @transform_0(%arg0: i32) -> (i32, i32) {
    %c0_i32 = arith.constant 0 : i32
    %c0_i32_0 = arith.constant 0 : i32
    %c0_i32_1 = arith.constant 0 : i32
    return %c0_i32, %c0_i32_0 : i32, i32
  }
  func.func @transform_1(%arg0: i32) -> (i32, i32) {
    %c0_i32 = arith.constant 0 : i32
    %c0_i32_0 = arith.constant 0 : i32
    return %arg0, %c0_i32 : i32, i32
  }
  func.func @transform_2(%arg0: i32) -> (i32, i32) {
    %c0_i32 = arith.constant 0 : i32
    %c0_i32_0 = arith.constant 0 : i32
    return %arg0, %c0_i32 : i32, i32
  }
  func.func @transform_3(%arg0: i32) -> (i32, i32) {
    %c0_i32 = arith.constant 0 : i32
    %c0_i32_0 = arith.constant 0 : i32
    return %arg0, %c0_i32 : i32, i32
  }
  func.func @transform_4(%arg0: i32) -> (i32, i32) {
    %c0_i32 = arith.constant 0 : i32
    %c0_i32_0 = arith.constant 0 : i32
    %c0_i32_1 = arith.constant 0 : i32
    return %c0_i32, %c0_i32_0 : i32, i32
  }
  func.func @transform_5(%arg0: i32) -> (i32, i32) {
    %c0_i32 = arith.constant 0 : i32
    %c0_i32_0 = arith.constant 0 : i32
    %c0_i32_1 = arith.constant 0 : i32
    return %c0_i32, %c0_i32_0 : i32, i32
  }
  func.func @transform_6(%arg0: i32) -> (i32, i32) {
    %c0_i32 = arith.constant 0 : i32
    %c0_i32_0 = arith.constant 0 : i32
    %c0_i32_1 = arith.constant 0 : i32
    return %c0_i32, %c0_i32_0 : i32, i32
  }
  func.func @transform_7(%arg0: i32) -> (i32, i32) {
    %c0_i32 = arith.constant 0 : i32
    %c0_i32_0 = arith.constant 0 : i32
    %c0_i32_1 = arith.constant 0 : i32
    return %c0_i32, %c0_i32_0 : i32, i32
  }
  func.func @transform_8(%arg0: i32) -> (i32, i32) {
    %c0_i32 = arith.constant 0 : i32
    %c0_i32_0 = arith.constant 0 : i32
    return %arg0, %c0_i32 : i32, i32
  }
  func.func @transform_9(%arg0: i32) -> (i32, i32) {
    %c0_i32 = arith.constant 0 : i32
    %c0_i32_0 = arith.constant 0 : i32
    %c0_i32_1 = arith.constant 0 : i32
    return %c0_i32, %c0_i32_0 : i32, i32
  }
  func.func @transform_10(%arg0: i32) -> (i32, i32) {
    %c0_i32 = arith.constant 0 : i32
    %c0_i32_0 = arith.constant 0 : i32
    %c0_i32_1 = arith.constant 0 : i32
    return %c0_i32, %c0_i32_0 : i32, i32
  }
}

</mosaic_0001>

<sc_bundles>
// kernel: kernel.4.cloned.1.call-start
scs
__scs_entry_jumppad:
0x0: {  	(pc) =	sbr.rel $0x88, $3  }
0x1: {  	(tag) =	ssettag $0x0;
	lr =	simm.s32 $0x1  }
0x2: {  	[smem:$0x3F99] =	sst lr;
	_ =	strace $0xD0000000  }
0x3: {  	_ = 	snop  }
0x4: {  	_ = 	snop  }
0x5: {  	_ = 	snop  }
0x6: {  	_ = 	snop  }
0x7: {  	_ = 	snop  }
__scs_overlays_trampoline_lowered:
0x8: {  	[smem:$0x3FA8] =	sst s0  }
0x9: {  	[smem:$0x3FA9] =	sst s1  }
0xa: {  	[smem:$0x3FAA] =	sst s2  }
0xb: {  	[smem:$0x3FAB] =	sst s3  }
0xc: {  	[smem:$0x3FAC] =	sst s4  }
0xd: {  	[smem:$0x3FAD] =	sst s5  }
0xe: {  	[smem:$0x3FAE] =	sst s6  }
0xf: {  	[smem:$0x3FAF] =	sst s7  }
0x10: {  	[smem:$0x3FB0] =	sst s8  }
0x11: {  	[smem:$0x3FB1] =	sst s9;
	s0 =	simm.s32 @!p0 $0x0  }
0x12: {  	s1 =	sld [smem:$0x3F97];
	s0 =	simm.s32 @p0 $0x1  }
0x13: {  	[smem:$0x3FB2] =	sst s0;
	s0 =	simm.s32 @!p1 $0x0  }
0x14: {  	s2 =	sld [smem:$0x3F96];
	s0 =	simm.s32 @p1 $0x1  }
0x15: {  	[smem:$0x3FB3] =	sst s0;
	s0 =	simm.s32 @!p2 $0x0  }
0x16: {  	s3 =	sld [smem:$0x3FDB];
	s0 =	simm.s32 @p2 $0x1  }
0x17: {  	s4 =	simm.s32 $0x1BF5;
	[smem:$0x3FB5] =	sst s0  }
0x18: {  	s0 =	sld [smem:$0x3F98];
	_ =	swait.ge [sflag:s4], $0x0  }
0x19: {  	s7 =	sld [smem:$0x3F99]  }
0x1a: {  	s8 =	sadd.s32 $0xFFFFE003, lr  }
0x1b: {  	s9 =	sadd.s32 $0xFFFFFEF7, lr;
	s5 =	simm.s32 $0xFFFFFFFF;
	p2 =	slt.u32 s8, $0xFFFFF086  }
0x1c: {  	p1 =	slt.u32 s9, $0xF7A;
	s5 =	simm.s32 @!p2 $0x0  }
0x1d: {  	s5 =	simm.s32 @p1 $0x1;
	p0 =	seq.s32 s7, s2  }
0x1e: {  	s7 =	smul.u32 @!p0 $0xF7A, s2;
	p2 =	seq.s32 @!p0 s5, $0x0  }
0x1f: {  	s9 =	smul.u32 $0xF7A, s1;
	s8 =	simm.s32 @!p0 $0x1BF5;
	p2 =	por !p2, p0  }
0x20: {  	[sflag:s8] =	ssyncset.s32 @!p0 $0xFFFFF086;
	s6 =	sadd.s32 @!p0 s3, s7;
	s7 =	simm.s32 @!p0 $0x108  }
0x21: {  	s3 =	sadd.s32 s3, s9;
	s6 =	sadd.s32 @!p0 $0x88, s6;
	s7 =	simm.s32 @p2 $0x1082  }
0x22: {  	[simem:s7], [sflag:s8] =	dma.local @!p0 [hbm:s6], $0xF7A  }
0x23: {  	s9 =	sor.u32 $0xD0000000, s2;
	s6 =	simm.s32 $0x108;
	_ =	swait.ge @!p0 [sflag:s8], $0x0  }
0x24: {  	s3 =	sadd.s32 $0x88, s3;
	s6 =	simm.s32 @!p1 $0x1082;
	[sflag:s4] =	ssyncset.s32 $0xFFFFF086  }
0x25: {  	[simem:s6], [sflag:s4] =	dma.local [hbm:s3], $0xF7A  }
0x26: {  	[smem:$0x3F99] =	sst s1;
	(tag) =	ssettag s2;
	_ =	strace s9  }
0x27: {  	s1 =	sld [smem:$0x3FA9]  }
0x28: {  	s2 =	sld [smem:$0x3FAA]  }
0x29: {  	s4 =	sld [smem:$0x3FAC]  }
0x2a: {  	p0 =	seq.s32 s5, $0x0;
	s5 =	sld [smem:$0x3FAD]  }
0x2b: {  	s6 =	sld [smem:$0x3FAE]  }
0x2c: {  	s7 =	sld [smem:$0x3FAF]  }
0x2d: {  	s3 =	simm.s32 $0x108;
	s8 =	sld [smem:$0x3FB0]  }
0x2e: {  	s3 =	simm.s32 @!p0 $0x1082;
	s9 =	sld [smem:$0x3FB1]  }
0x2f: {  	lr =	sadd.s32 s0, s3;
	s0 =	sld [smem:$0x3FA8]  }
0x30: {  	s3 =	sld [smem:$0x3FAB]  }
0x31: {  	[smem:$0x3FB4] =	sst s10  }
0x32: {  	s10 =	sld [smem:$0x3FB2];
	_ =	sdelay $0x3  }
0x33: {  	p0 =	seq.s32 s10, $0x1;
	s10 =	sld [smem:$0x3FB4];
	_ =	sdelay $0x3  }
0x34: {  	[smem:$0x3FB4] =	sst s10  }
0x35: {  	s10 =	sld [smem:$0x3FB3];
	_ =	sdelay $0x3  }
0x36: {  	p1 =	seq.s32 s10, $0x1;
	s10 =	sld [smem:$0x3FB4];
	_ =	sdelay $0x3  }
0x37: {  	[smem:$0x3FB4] =	sst s10  }
0x38: {  	s10 =	sld [smem:$0x3FB5]  }
0x39: {  	_ = 	snop;
	(pc) =	sbr.ind lr, $3  }
0x3a: {  	_ = 	snop  }
0x3b: {  	_ = 	snop  }
0x3c: {  	p2 =	seq.s32 s10, $0x1;
	s10 =	sld [smem:$0x3FB4]  }
0x3d: {  	_ =	shalt  }
0x3e: {  	_ =	shalt  }
0x3f: {  	_ =	shalt  }
0x40: {  	_ =	shalt  }
0x41: {  	_ =	shalt  }
0x42: {  	_ =	shalt  }
0x43: {  	_ =	shalt  }
0x44: {  	_ =	shalt  }
0x45: {  	_ =	shalt  }
0x46: {  	_ =	shalt  }
0x47: {  	_ =	shalt  }
0x48: {  	_ =	shalt  }
0x49: {  	_ =	shalt  }
0x4a: {  	_ =	shalt  }
0x4b: {  	_ =	shalt  }
0x4c: {  	_ =	shalt  }
0x4d: {  	_ =	shalt  }
0x4e: {  	_ =	shalt  }
0x4f: {  	_ =	shalt  }
0x50: {  	_ =	shalt  }
0x51: {  	_ =	shalt  }
0x52: {  	_ =	shalt  }
0x53: {  	_ =	shalt  }
0x54: {  	_ =	shalt  }
0x55: {  	_ =	shalt  }
0x56: {  	_ =	shalt  }
0x57: {  	_ =	shalt  }
0x58: {  	_ =	shalt  }
0x59: {  	_ =	shalt  }
0x5a: {  	_ =	shalt  }
0x5b: {  	_ =	shalt  }
0x5c: {  	_ =	shalt  }
0x5d: {  	_ =	shalt  }
0x5e: {  	_ =	shalt  }
0x5f: {  	_ =	shalt  }
0x60: {  	_ =	shalt  }
0x61: {  	_ =	shalt  }
0x62: {  	_ =	shalt  }
0x63: {  	_ =	shalt  }
0x64: {  	_ =	shalt  }
0x65: {  	_ =	shalt  }
0x66: {  	_ =	shalt  }
0x67: {  	_ =	shalt  }
0x68: {  	_ =	shalt  }
0x69: {  	_ =	shalt  }
0x6a: {  	_ =	shalt  }
0x6b: {  	_ =	shalt  }
0x6c: {  	_ =	shalt  }
0x6d: {  	_ =	shalt  }
0x6e: {  	_ =	shalt  }
0x6f: {  	_ =	shalt  }
0x70: {  	_ =	shalt  }
0x71: {  	_ =	shalt  }
0x72: {  	_ =	shalt  }
0x73: {  	_ =	shalt  }
0x74: {  	_ =	shalt  }
0x75: {  	_ =	shalt  }
0x76: {  	_ =	shalt  }
0x77: {  	_ =	shalt  }
0x78: {  	_ =	shalt  }
0x79: {  	_ =	shalt  }
0x7a: {  	_ =	shalt  }
0x7b: {  	_ =	shalt  }
0x7c: {  	_ =	shalt  }
0x7d: {  	_ =	shalt  }
0x7e: {  	_ =	shalt  }
0x7f: {  	_ =	shalt  }
0x80: {  	_ =	shalt  }
0x81: {  	_ =	shalt  }
0x82: {  	_ =	shalt  }
0x83: {  	_ =	shalt  }
0x84: {  	_ =	shalt  }
0x85: {  	_ =	shalt  }
0x86: {  	_ =	shalt  }
0x87: {  	_ =	shalt  }
.Lfunc_end0:
.L_simem_size_0:
called_computation_lowered:
.L_overlay_start_0:
0x88: {  	s2 =	sld [smem:$0x3FD9]  }
0x89: {  	s3 =	sld [smem:$0x3FFE];
	_ =	sdelay $0x1  }
0x8a: {  	s1 =	srdreg.scid  }
0x8b: {  	s0 =	sand.u32 $0x1, s1  }
0x8c: {  	s14 =	sshll.u32 s0, $0xA;
	s2 =	sadd.s32 s3, s2  }
0x8d: {  	s2 =	sadd.s32 s2, s14  }
0x8e: {  	[smem:$0x3FC0] =	sst s2  }
0x8f: {  	_ = 	snop  }
0x90: {  	s2 =	sld [smem:$0x3FD0];
	_ =	sdelay $0x2  }
0x91: {  	s4 =	simm.s32 $0xA;
	s5 =	simm.s32 $0x10;
	s15 =	sld [smem:$0x3FC6]  }
0x92: {  	[smem:s5], [sflag:s4] =	dma.local [hbm:s2], $0x1  }
0x93: {  	_ =	swait.eq [sflag:s4], $0x1  }
0x94: {  	[sflag:s4] =	ssyncset.done $0x0  }
0x95: {  	s16 =	sld [smem:$0x10];
	[sflag:s4] =	ssyncadd.s32 $0xFFFFFFFF  }
0x96: {  	s17 =	sld [smem:$0x16];
	(tm) =	ssettm $0x1  }
0x97: {  	s18 =	sld [smem:$0x3FFB];
	_ =	sdelay $0x3  }
0x98: {  	_ =	strace s18  }
0x99: {  	s5 =	sld [smem:$0x3FFC];
	_ =	sdelay $0x3  }
0x9a: {  	_ =	strace s5  }
0x9b: {  	s5 =	sld [smem:$0x3FFD];
	_ =	sdelay $0x3  }
0x9c: {  	_ =	strace s5  }
0x9d: {  	_ =	strace $0x8FFFFFFF  }
0x9e: {  	s19 =	sld [smem:$0x3FDB];
	_ =	sdelay $0x1  }
0x9f: {  	s6 =	simm.s32 $_scs_section_size  }
0xa0: {  	s7 =	simm.s32 $_size__tile_overlayer_lowered;
	s8 =	simm.s32 $_tile_overlayer_lowered  }
0xa1: {  	s22 =	simm.s32 $0x1BFF;
	s21 =	sshll.u32 s8, $0x1;
	s5 =	sadd.s32 s6, s19  }
0xa2: {  	s9 =	simm.s32 $0x0;
	s20 =	sshll.u32 s7, $0x1;
	s7 =	sadd.s32 s21, s5  }
0xa3: {  	[timem:s9], [sflag:s22] =	dma.local [hbm:s7], s20  }
0xa4: {  	_ =	swait.ge [sflag:s22], s20  }
0xa5: {  	s6 =	ssub.s32 $0x0, s20;
	[sflag:s22] =	ssyncset.done $0x0  }
0xa6: {  	[sflag:s22] =	ssyncadd.s32 s6;
	_ =	sdelay $0x1  }
0xa7: {  	s23 =	simm.s32 $0x1B8B  }
0xa8: {  	_ =	swait.ge [sflag:s23], $0x1  }
0xa9: {  	[sflag:s23] =	ssyncset.done $0x0  }
0xaa: {  	s25 =	simm.s32 $0x1B8E;
	s24 =	sld [smem:$0x3FFE];
	[sflag:s23] =	ssyncadd.s32 $0xFFFFFFFF  }
0xab: {  	s26 =	simm.s32 $execute0_lowered;
	[smem:$0x3FD2] =	sst s25  }
0xac: {  	s7 =	sshll.u32 s26, $0x1;
	_ =	strace $0x80000046;
	[dreg:$0x1] =	wrdreg $0xFFFFFFFF  }
0xad: {  	s28 =	simm.s32 $_size_execute0_lowered;
	s5 =	sadd.s32 s5, s7;
	[dreg:$0x0] =	wrdreg $0x0  }
0xae: {  	s7 =	sshll.u32 s28, $0x1;
	[dreg:$0x2] =	wrdreg s5  }
0xaf: {  	[dreg:$0x3] =	wrdreg s7  }
0xb0: {  	[dreg:$0x4] =	wrdreg $0xC0  }
0xb1: {  	_ =	task [dreg:s9], $0x5FFFF  }
0xb2: {  	[dreg:$0x1] =	wrdreg $0xFFFFFFFF  }
0xb3: {  	[dreg:$0x0] =	wrdreg $0x60  }
0xb4: {  	[dreg:$0x2] =	wrdreg s24  }
0xb5: {  	[dreg:$0x3] =	wrdreg s16  }
0xb6: {  	[dreg:$0x4] =	wrdreg s15  }
0xb7: {  	[dreg:$0x5] =	wrdreg s17  }
0xb8: {  	[dreg:$0x6] =	wrdreg $0x9  }
0xb9: {  	_ =	task.clear_ibuf [dreg:s9], $0x7FFFF;
	_ =	strace $0x90000046  }
0xba: {  	s29 =	simm.s32 $0x9;
	_ =	strace $0x80000048  }
0xbb: {  	_ =	swait.ge [sflag:s29], $0x1  }
0xbc: {  	[sflag:s29] =	ssyncadd.s32 $0xFFFFFFFF  }
0xbd: {  	_ =	strace $0x90000048  }
0xbe: {  	_ =	sfence  }
0xbf: {  	s30 =	sld [smem:$0x0];
	_ =	sdelay $0x2  }
0xc0: {  	s31 =	sshll.u32 s1, $0xD;
	s1 =	sshrl.u32 s1, $0x2  }
0xc1: {  	s3 =	sand.u32 $0x4000, s31;
	s1 =	sadd.s32 s1, s30  }
0xc2: {  	s0 =	sor.u32 s3, s0;
	s1 =	sshll.u32 s1, $0x11  }
0xc3: {  	s0 =	sor.u32 s1, s0  }
0xc4: {  	s0 =	sadd.s32 $0x8F2B, s0  }
0xc5: {  	[sflag:s0] =	ssyncadd.remote.s32 $0x1  }
0xc6: {  	_ =	sfence.sel $0xFFFF  }
0xc7: {  	[dreg:$0x0] =	wrdreg $0xFFFFFFFF;
	(pc) =	sbr.abs _section_cstart, $3  }
0xc8: {  	[dreg:$0x1] =	wrdreg $0xFFFFFFFF  }
0xc9: {  	_ =	task.clear_ibuf [dreg:s9], $0x2FFFF;
	_ =	strace $0x9FFFFFFF  }
0xca: {  	(tm) =	ssettm $0x7FFFFFFF  }
0xcb: {  	_ =	shalt  }
tec
execute0_lowered:
.L_overlay_start_1:
0x0: {  	(tag) =	ssettag $0x1  }
0x1: {  	s0 =	rddreg [dreg:$0x0]  }
0x2: {  	s2 =	srdreg.scid;
	s3 =	rddreg [dreg:$0x2]  }
0x3: {  	s8 =	stileid.u32;
	s5 =	rddreg [dreg:$0x3]  }
0x4: {  	s4 =	simm.s32 $0x0;
	s10 =	simm.s32 $0x1;
	s29 =	simm.s32 $0x100  }
0x5: {  	s30 =	simm.s32 $0x180;
	s31 =	simm.s32 $0x400;
	s9 =	simm.s32 $0x3C00  }
0x6: {  	s11 =	simm.s32 $0x4400;
	s12 =	simm.s32 $0x4C00;
	s13 =	simm.s32 $0x5400  }
0x7: {  	s15 =	simm.s32 $0x5C00;
	s16 =	simm.s32 $0x6400;
	s2 =	sand.u32 $0x1, s2  }
0x8: {  	s7 =	sshll.u32 s8, $0x7;
	[smem:$0x7FF] =	sst s4;
	s21 =	sshll.u32 s8, $0xF  }
0x9: {  	s6 =	sshll.u32 s2, $0x6;
	_ =	strace $0x80000047;
	s22 =	sshll.u32 s2, $0xE  }
0xa: {  	[dreg:$0xd] =	wrdreg s29;
	s6 =	sor.u32 s6, s7;
	s7 =	sor.u32 s22, s21  }
0xb: {  	[dreg:$0xe] =	wrdreg s30;
	s0 =	sadd.s32 s6, s0;
	s5 =	sadd.s32 s5, s7  }
0xc: {  	s17 =	simm.s32 $0x6C00;
	s6 =	sadd.s32 $0x2200, s0;
	[dreg:$0xf] =	wrdreg s5  }
0xd: {  	s18 =	simm.s32 $0x7400;
	s19 =	sadd.s32 $0x2A00, s0;
	[dreg:$0x5] =	wrdreg s6  }
0xe: {  	s14 =	simm.s32 $0xC400;
	s20 =	sadd.s32 $0x2A10, s0;
	[dreg:$0x6] =	wrdreg s19  }
0xf: {  	s2 =	ssub.s32 $0x2, s2;
	s23 =	sadd.s32 $0x2A20, s0;
	[dreg:$0x7] =	wrdreg s20  }
0x10: {  	s26 =	sshrl.u32 s2, $0x1;
	s0 =	sadd.s32 $0x2A30, s0;
	[dreg:$0x8] =	wrdreg s23  }
0x11: {  	s21 =	simm.s32 $0x9C00;
	s24 =	sadd.s32 $0x1000, s5;
	[dreg:$0x9] =	wrdreg s0  }
0x12: {  	s22 =	simm.s32 $0xA400;
	s25 =	sadd.s32 $0x2000, s5;
	[dreg:$0xa] =	wrdreg s24  }
0x13: {  	s2 =	ssub.s32 s2, s26;
	s28 =	sadd.s32 $0x3000, s5;
	[dreg:$0xb] =	wrdreg s25  }
0x14: {  	v2 =	vlaneseq.u32;
	s7 =	simm.s32 $0x3;
	s5 =	simm.s32 $0x7C00;
	[dreg:$0xc] =	wrdreg s28  }
0x15: {  	vm0 =	vmmov $0xffff;
	v1 =	vshrl.u32 v2, $0x3;
	s6 =	smax.u32 s2, $0x1;
	s24 =	simm.s32 $0x2;
	s2 =	simm.s32 $0x2C00  }
0x16: {  	v0 =	vand.u32 $0x7, v2;
	v2 =	vor.u32 $0x8, v2;
	v1 =	vmul.u32 $0x8, v1;
	s19 =	simm.s32 $0x8C00;
	s20 =	simm.s32 $0x9400;
	s23 =	simm.s32 $0xAC00  }
.LBB2_1:
0x17: {  	s25 =	rddreg [dreg:$0x5]  }
0x18: {  	[tilespmem:s4], [sflag:$0x3] =	stream.linear.gather [hbm4b:s25+s4], $0x200, $0x38;
	[tilespmem:$0x10400] =	vst v63  }
0x19: {  	_ =	swait.ge [sflag:s7], $0x200  }
0x1a: {  	[sflag:s7] =	ssyncset.done $0x0  }
0x1b: {  	[sflag:s7] =	ssyncadd.s32 $0xFFFFFE00  }
0x1c: {  	s26 =	simm.s32 $0x200;
	s1 =	simm.s32 $0x80;
	s0 =	rddreg [dreg:$0x1]  }
0x1d: {  	[tilespmem:s26], [sflag:$0x1] =	stream.indirect.gather [hbm4b:s0+s1], $0x1, s4, s1, $0xb8;
	[tilespmem:$0x10400] =	vst v63  }
0x1e: {  	_ =	swait.ge [sflag:s10], $0x80  }
0x1f: {  	[sflag:s10] =	ssyncset.done $0x0  }
0x20: {  	s28 =	simm.s32 $0x280;
	[sflag:s10] =	ssyncadd.s32 $0xFFFFFF80  }
0x21: {  	[tilespmem:s28], [sflag:$0x1] =	stream.indirect.gather [hbm4b:s0+s1], $0x1, s1, s1, $0xb8;
	[tilespmem:$0x10400] =	vst v63  }
0x22: {  	_ =	swait.ge [sflag:s10], $0x80  }
0x23: {  	[sflag:s10] =	ssyncset.done $0x0  }
0x24: {  	s29 =	simm.s32 $0x300;
	s30 =	rddreg [dreg:$0xd];
	[sflag:s10] =	ssyncadd.s32 $0xFFFFFF80  }
0x25: {  	[tilespmem:s29], [sflag:$0x1] =	stream.indirect.gather [hbm4b:s0+s1], $0x1, s30, s1, $0xb8;
	[tilespmem:$0x10400] =	vst v63  }
0x26: {  	_ =	swait.ge [sflag:s10], $0x80  }
0x27: {  	[sflag:s10] =	ssyncset.done $0x0  }
0x28: {  	s30 =	simm.s32 $0x380;
	s8 =	rddreg [dreg:$0xe];
	[sflag:s10] =	ssyncadd.s32 $0xFFFFFF80  }
0x29: {  	[tilespmem:s30], [sflag:$0x1] =	stream.indirect.gather [hbm4b:s0+s1], $0x1, s8, s1, $0xb8;
	[tilespmem:$0x10400] =	vst v63  }
0x2a: {  	_ =	swait.ge [sflag:s10], $0x80  }
0x2b: {  	[sflag:s10] =	ssyncset.done $0x0  }
0x2c: {  	s8 =	rddreg [dreg:$0x6];
	[sflag:s10] =	ssyncadd.s32 $0xFFFFFF80  }
0x2d: {  	[hbm4b:s8+s4] =	stream.linear.scatter [tilespmem:s26], [sflag:$0x3], $0x80, $0x38;
	[tilespmem:$0x10400] =	vst v63  }
0x2e: {  	_ =	swait.ge [sflag:s7], $0x80  }
0x2f: {  	[sflag:s7] =	ssyncset.done $0x0  }
0x30: {  	s26 =	rddreg [dreg:$0x7];
	[sflag:s7] =	ssyncadd.s32 $0xFFFFFF80  }
0x31: {  	[hbm4b:s26+s4] =	stream.linear.scatter [tilespmem:s28], [sflag:$0x3], $0x80, $0x38;
	[tilespmem:$0x10400] =	vst v63  }
0x32: {  	_ =	swait.ge [sflag:s7], $0x80  }
0x33: {  	[sflag:s7] =	ssyncset.done $0x0  }
0x34: {  	s0 =	rddreg [dreg:$0x8];
	[sflag:s7] =	ssyncadd.s32 $0xFFFFFF80  }
0x35: {  	[hbm4b:s0+s4] =	stream.linear.scatter [tilespmem:s29], [sflag:$0x3], $0x80, $0x38;
	[tilespmem:$0x10400] =	vst v63  }
0x36: {  	_ =	swait.ge [sflag:s7], $0x80  }
0x37: {  	[sflag:s7] =	ssyncset.done $0x0  }
0x38: {  	s1 =	rddreg [dreg:$0x9];
	[sflag:s7] =	ssyncadd.s32 $0xFFFFFF80  }
0x39: {  	[hbm4b:s1+s4] =	stream.linear.scatter [tilespmem:s30], [sflag:$0x3], $0x80, $0x38;
	[tilespmem:$0x10400] =	vst v63  }
0x3a: {  	_ =	swait.ge [sflag:s7], $0x80  }
0x3b: {  	[sflag:s7] =	ssyncset.done $0x0  }
0x3c: {  	[sflag:s7] =	ssyncadd.s32 $0xFFFFFF80  }
0x3d: {  	v3 =	vld [tilespmem:$0x200];
	_ =	sdelay $0x4  }
0x3e: {  	v4 =	vshll.u32 v3, $0x1  }
0x3f: {  	v3 =	vand.u32 $0x7, v3;
	v4 =	vand.u32 $0xFFFFFFF0, v4  }
0x40: {  	v3 =	vor.u32 v3, v4  }
0x41: {  	v4 =	vperm.xlane v3, v0;
	_ =	sdelay $0x1  }
0x42: {  	v3 =	vperm.xlane v3, v2;
	v4 =	vadd.s32 v1, v4;
	_ =	sdelay $0x1  }
0x43: {  	v3 =	vadd.s32 v1, v3;
	_ =	sdelay $0x2  }
0x44: {  	[tilespmem:s31], [sflag:$0x1] =	stream.indirect_vreg.gather [hbm4b:s3+s4], $0x80, v4, vm0, $0xb8;
	[tilespmem:$0x10400] =	vst v63  }
0x45: {  	s26 =	simm.s32 $0xC00  }
0x46: {  	[tilespmem:s26], [sflag:$0x1] =	stream.indirect_vreg.gather [hbm4b:s3+s4], $0x80, v3, vm0, $0xb8;
	[tilespmem:$0x10400] =	vst v63  }
0x47: {  	v3 =	vld [tilespmem:$0x210];
	_ =	sdelay $0x4  }
0x48: {  	v33 =	vshll.u32 v3, $0x1  }
0x49: {  	v3 =	vand.u32 $0x7, v3;
	v4 =	vand.u32 $0xFFFFFFF0, v33  }
0x4a: {  	v3 =	vor.u32 v3, v4  }
0x4b: {  	v4 =	vperm.xlane v3, v0;
	_ =	sdelay $0x1  }
0x4c: {  	v3 =	vperm.xlane v3, v2;
	v4 =	vadd.s32 v1, v4;
	_ =	sdelay $0x1  }
0x4d: {  	v3 =	vadd.s32 v1, v3;
	_ =	sdelay $0x1  }
0x4e: {  	s28 =	simm.s32 $0x1400  }
0x4f: {  	[tilespmem:s28], [sflag:$0x1] =	stream.indirect_vreg.gather [hbm4b:s3+s4], $0x80, v4, vm0, $0xb8;
	[tilespmem:$0x10400] =	vst v63  }
0x50: {  	s29 =	simm.s32 $0x1C00  }
0x51: {  	[tilespmem:s29], [sflag:$0x1] =	stream.indirect_vreg.gather [hbm4b:s3+s4], $0x80, v3, vm0, $0xb8;
	[tilespmem:$0x10400] =	vst v63  }
0x52: {  	v3 =	vld [tilespmem:$0x220];
	_ =	sdelay $0x4  }
0x53: {  	v34 =	vshll.u32 v3, $0x1  }
0x54: {  	v3 =	vand.u32 $0x7, v3;
	v4 =	vand.u32 $0xFFFFFFF0, v34  }
0x55: {  	v3 =	vor.u32 v3, v4  }
0x56: {  	v4 =	vperm.xlane v3, v0;
	_ =	sdelay $0x1  }
0x57: {  	v3 =	vperm.xlane v3, v2;
	v4 =	vadd.s32 v1, v4;
	_ =	sdelay $0x1  }
0x58: {  	v3 =	vadd.s32 v1, v3;
	_ =	sdelay $0x1  }
0x59: {  	s30 =	simm.s32 $0x2400  }
0x5a: {  	[tilespmem:s30], [sflag:$0x1] =	stream.indirect_vreg.gather [hbm4b:s3+s4], $0x80, v4, vm0, $0xb8;
	[tilespmem:$0x10400] =	vst v63  }
0x5b: {  	_ = 	snop  }
0x5c: {  	[tilespmem:s2], [sflag:$0x1] =	stream.indirect_vreg.gather [hbm4b:s3+s4], $0x80, v3, vm0, $0xb8;
	[tilespmem:$0x10400] =	vst v63  }
0x5d: {  	v3 =	vld [tilespmem:$0x230];
	_ =	sdelay $0x4  }
0x5e: {  	v35 =	vshll.u32 v3, $0x1  }
0x5f: {  	v3 =	vand.u32 $0x7, v3;
	v4 =	vand.u32 $0xFFFFFFF0, v35  }
0x60: {  	v3 =	vor.u32 v3, v4  }
0x61: {  	v4 =	vperm.xlane v3, v0;
	_ =	sdelay $0x1  }
0x62: {  	v3 =	vperm.xlane v3, v2;
	v4 =	vadd.s32 v1, v4;
	_ =	sdelay $0x1  }
0x63: {  	v3 =	vadd.s32 v1, v3;
	_ =	sdelay $0x1  }
0x64: {  	s1 =	simm.s32 $0x3400  }
0x65: {  	[tilespmem:s1], [sflag:$0x1] =	stream.indirect_vreg.gather [hbm4b:s3+s4], $0x80, v4, vm0, $0xb8;
	[tilespmem:$0x10400] =	vst v63  }
0x66: {  	_ = 	snop  }
0x67: {  	[tilespmem:s9], [sflag:$0x1] =	stream.indirect_vreg.gather [hbm4b:s3+s4], $0x80, v3, vm0, $0xb8;
	[tilespmem:$0x10400] =	vst v63  }
0x68: {  	v3 =	vld [tilespmem:$0x240];
	_ =	sdelay $0x4  }
0x69: {  	v36 =	vshll.u32 v3, $0x1  }
0x6a: {  	v3 =	vand.u32 $0x7, v3;
	v4 =	vand.u32 $0xFFFFFFF0, v36  }
0x6b: {  	v3 =	vor.u32 v3, v4  }
0x6c: {  	v4 =	vperm.xlane v3, v0;
	_ =	sdelay $0x1  }
0x6d: {  	v3 =	vperm.xlane v3, v2;
	v4 =	vadd.s32 v1, v4;
	_ =	sdelay $0x1  }
0x6e: {  	v3 =	vadd.s32 v1, v3;
	_ =	sdelay $0x2  }
0x6f: {  	[tilespmem:s11], [sflag:$0x1] =	stream.indirect_vreg.gather [hbm4b:s3+s4], $0x80, v4, vm0, $0xb8;
	[tilespmem:$0x10400] =	vst v63  }
0x70: {  	_ = 	snop  }
0x71: {  	[tilespmem:s12], [sflag:$0x1] =	stream.indirect_vreg.gather [hbm4b:s3+s4], $0x80, v3, vm0, $0xb8;
	[tilespmem:$0x10400] =	vst v63  }
0x72: {  	v3 =	vld [tilespmem:$0x250];
	_ =	sdelay $0x4  }
0x73: {  	v37 =	vshll.u32 v3, $0x1  }
0x74: {  	v3 =	vand.u32 $0x7, v3;
	v4 =	vand.u32 $0xFFFFFFF0, v37  }
0x75: {  	v3 =	vor.u32 v3, v4  }
0x76: {  	v4 =	vperm.xlane v3, v0;
	_ =	sdelay $0x1  }
0x77: {  	v3 =	vperm.xlane v3, v2;
	v4 =	vadd.s32 v1, v4;
	_ =	sdelay $0x1  }
0x78: {  	v3 =	vadd.s32 v1, v3;
	_ =	sdelay $0x2  }
0x79: {  	[tilespmem:s13], [sflag:$0x1] =	stream.indirect_vreg.gather [hbm4b:s3+s4], $0x80, v4, vm0, $0xb8;
	[tilespmem:$0x10400] =	vst v63  }
0x7a: {  	_ = 	snop  }
0x7b: {  	[tilespmem:s15], [sflag:$0x1] =	stream.indirect_vreg.gather [hbm4b:s3+s4], $0x80, v3, vm0, $0xb8;
	[tilespmem:$0x10400] =	vst v63  }
0x7c: {  	v3 =	vld [tilespmem:$0x260];
	_ =	sdelay $0x4  }
0x7d: {  	v38 =	vshll.u32 v3, $0x1  }
0x7e: {  	v3 =	vand.u32 $0x7, v3;
	v4 =	vand.u32 $0xFFFFFFF0, v38  }
0x7f: {  	v3 =	vor.u32 v3, v4  }
0x80: {  	v4 =	vperm.xlane v3, v0;
	_ =	sdelay $0x1  }
0x81: {  	v3 =	vperm.xlane v3, v2;
	v4 =	vadd.s32 v1, v4;
	_ =	sdelay $0x1  }
0x82: {  	v3 =	vadd.s32 v1, v3;
	_ =	sdelay $0x2  }
0x83: {  	[tilespmem:s16], [sflag:$0x1] =	stream.indirect_vreg.gather [hbm4b:s3+s4], $0x80, v4, vm0, $0xb8;
	[tilespmem:$0x10400] =	vst v63  }
0x84: {  	_ = 	snop  }
0x85: {  	[tilespmem:s17], [sflag:$0x1] =	stream.indirect_vreg.gather [hbm4b:s3+s4], $0x80, v3, vm0, $0xb8;
	[tilespmem:$0x10400] =	vst v63  }
0x86: {  	v3 =	vld [tilespmem:$0x270];
	_ =	sdelay $0x4  }
0x87: {  	v39 =	vshll.u32 v3, $0x1  }
0x88: {  	v3 =	vand.u32 $0x7, v3;
	v4 =	vand.u32 $0xFFFFFFF0, v39  }
0x89: {  	v3 =	vor.u32 v3, v4  }
0x8a: {  	v4 =	vperm.xlane v3, v0;
	_ =	sdelay $0x1  }
0x8b: {  	v3 =	vperm.xlane v3, v2;
	v4 =	vadd.s32 v1, v4;
	_ =	sdelay $0x1  }
0x8c: {  	v3 =	vadd.s32 v1, v3;
	_ =	sdelay $0x2  }
0x8d: {  	[tilespmem:s18], [sflag:$0x1] =	stream.indirect_vreg.gather [hbm4b:s3+s4], $0x80, v4, vm0, $0xb8;
	[tilespmem:$0x10400] =	vst v63  }
0x8e: {  	_ = 	snop  }
0x8f: {  	[tilespmem:s5], [sflag:$0x1] =	stream.indirect_vreg.gather [hbm4b:s3+s4], $0x80, v3, vm0, $0xb8;
	[tilespmem:$0x10400] =	vst v63  }
0x90: {  	_ =	swait.ge [sflag:s10], $0x8000  }
0x91: {  	[sflag:s10] =	ssyncset.done $0x0  }
0x92: {  	s8 =	rddreg [dreg:$0xf];
	[sflag:s10] =	ssyncadd.s32 $0xFFFF8000  }
0x93: {  	[hbm4b:s8+s4] =	stream.linear.scatter [tilespmem:s31], [sflag:$0x1], $0x8000, $0x38;
	[tilespmem:$0x10400] =	vst v63  }
0x94: {  	v3 =	vld [tilespmem:$0x280];
	_ =	sdelay $0x4  }
0x95: {  	v40 =	vshll.u32 v3, $0x1  }
0x96: {  	v3 =	vand.u32 $0x7, v3;
	v4 =	vand.u32 $0xFFFFFFF0, v40  }
0x97: {  	v3 =	vor.u32 v3, v4  }
0x98: {  	v4 =	vperm.xlane v3, v0;
	_ =	sdelay $0x1  }
0x99: {  	v3 =	vperm.xlane v3, v2;
	v4 =	vadd.s32 v1, v4;
	_ =	sdelay $0x1  }
0x9a: {  	v3 =	vadd.s32 v1, v3;
	_ =	sdelay $0x1  }
0x9b: {  	s0 =	simm.s32 $0x8400  }
0x9c: {  	[tilespmem:s0], [sflag:$0x2] =	stream.indirect_vreg.gather [hbm4b:s3+s4], $0x80, v4, vm0, $0xb8;
	[tilespmem:$0x10400] =	vst v63  }
0x9d: {  	_ = 	snop  }
0x9e: {  	[tilespmem:s19], [sflag:$0x2] =	stream.indirect_vreg.gather [hbm4b:s3+s4], $0x80, v3, vm0, $0xb8;
	[tilespmem:$0x10400] =	vst v63  }
0x9f: {  	v3 =	vld [tilespmem:$0x290];
	_ =	sdelay $0x4  }
0xa0: {  	v41 =	vshll.u32 v3, $0x1  }
0xa1: {  	v3 =	vand.u32 $0x7, v3;
	v4 =	vand.u32 $0xFFFFFFF0, v41  }
0xa2: {  	v3 =	vor.u32 v3, v4  }
0xa3: {  	v4 =	vperm.xlane v3, v0;
	_ =	sdelay $0x1  }
0xa4: {  	v3 =	vperm.xlane v3, v2;
	v4 =	vadd.s32 v1, v4;
	_ =	sdelay $0x1  }
0xa5: {  	v3 =	vadd.s32 v1, v3;
	_ =	sdelay $0x2  }
0xa6: {  	[tilespmem:s20], [sflag:$0x2] =	stream.indirect_vreg.gather [hbm4b:s3+s4], $0x80, v4, vm0, $0xb8;
	[tilespmem:$0x10400] =	vst v63  }
0xa7: {  	_ = 	snop  }
0xa8: {  	[tilespmem:s21], [sflag:$0x2] =	stream.indirect_vreg.gather [hbm4b:s3+s4], $0x80, v3, vm0, $0xb8;
	[tilespmem:$0x10400] =	vst v63  }
0xa9: {  	v3 =	vld [tilespmem:$0x2A0];
	_ =	sdelay $0x4  }
0xaa: {  	v42 =	vshll.u32 v3, $0x1  }
0xab: {  	v3 =	vand.u32 $0x7, v3;
	v4 =	vand.u32 $0xFFFFFFF0, v42  }
0xac: {  	v3 =	vor.u32 v3, v4  }
0xad: {  	v4 =	vperm.xlane v3, v0;
	_ =	sdelay $0x1  }
0xae: {  	v3 =	vperm.xlane v3, v2;
	v4 =	vadd.s32 v1, v4;
	_ =	sdelay $0x1  }
0xaf: {  	v3 =	vadd.s32 v1, v3;
	_ =	sdelay $0x2  }
0xb0: {  	[tilespmem:s22], [sflag:$0x2] =	stream.indirect_vreg.gather [hbm4b:s3+s4], $0x80, v4, vm0, $0xb8;
	[tilespmem:$0x10400] =	vst v63  }
0xb1: {  	_ = 	snop  }
0xb2: {  	[tilespmem:s23], [sflag:$0x2] =	stream.indirect_vreg.gather [hbm4b:s3+s4], $0x80, v3, vm0, $0xb8;
	[tilespmem:$0x10400] =	vst v63  }
0xb3: {  	v3 =	vld [tilespmem:$0x2B0];
	_ =	sdelay $0x4  }
0xb4: {  	v43 =	vshll.u32 v3, $0x1  }
0xb5: {  	v3 =	vand.u32 $0x7, v3;
	v4 =	vand.u32 $0xFFFFFFF0, v43  }
0xb6: {  	v3 =	vor.u32 v3, v4  }
0xb7: {  	v4 =	vperm.xlane v3, v0;
	_ =	sdelay $0x1  }
0xb8: {  	v3 =	vperm.xlane v3, v2;
	v4 =	vadd.s32 v1, v4;
	_ =	sdelay $0x1  }
0xb9: {  	v3 =	vadd.s32 v1, v3;
	_ =	sdelay $0x1  }
0xba: {  	s8 =	simm.s32 $0xB400  }
0xbb: {  	[tilespmem:s8], [sflag:$0x2] =	stream.indirect_vreg.gather [hbm4b:s3+s4], $0x80, v4, vm0, $0xb8;
	[tilespmem:$0x10400] =	vst v63  }
0xbc: {  	s8 =	simm.s32 $0xBC00  }
0xbd: {  	[tilespmem:s8], [sflag:$0x2] =	stream.indirect_vreg.gather [hbm4b:s3+s4], $0x80, v3, vm0, $0xb8;
	[tilespmem:$0x10400] =	vst v63  }
0xbe: {  	v3 =	vld [tilespmem:$0x2C0];
	_ =	sdelay $0x4  }
0xbf: {  	v44 =	vshll.u32 v3, $0x1  }
0xc0: {  	v3 =	vand.u32 $0x7, v3;
	v4 =	vand.u32 $0xFFFFFFF0, v44  }
0xc1: {  	v3 =	vor.u32 v3, v4  }
0xc2: {  	v4 =	vperm.xlane v3, v0;
	_ =	sdelay $0x1  }
0xc3: {  	v3 =	vperm.xlane v3, v2;
	v4 =	vadd.s32 v1, v4;
	_ =	sdelay $0x1  }
0xc4: {  	v3 =	vadd.s32 v1, v3;
	_ =	sdelay $0x2  }
0xc5: {  	[tilespmem:s14], [sflag:$0x2] =	stream.indirect_vreg.gather [hbm4b:s3+s4], $0x80, v4, vm0, $0xb8;
	[tilespmem:$0x10400] =	vst v63  }
0xc6: {  	s25 =	simm.s32 $0xCC00  }
0xc7: {  	[tilespmem:s25], [sflag:$0x2] =	stream.indirect_vreg.gather [hbm4b:s3+s4], $0x80, v3, vm0, $0xb8;
	[tilespmem:$0x10400] =	vst v63  }
0xc8: {  	v3 =	vld [tilespmem:$0x2D0];
	_ =	sdelay $0x4  }
0xc9: {  	v45 =	vshll.u32 v3, $0x1  }
0xca: {  	v3 =	vand.u32 $0x7, v3;
	v4 =	vand.u32 $0xFFFFFFF0, v45  }
0xcb: {  	v3 =	vor.u32 v3, v4  }
0xcc: {  	v4 =	vperm.xlane v3, v0;
	_ =	sdelay $0x1  }
0xcd: {  	v3 =	vperm.xlane v3, v2;
	v4 =	vadd.s32 v1, v4;
	_ =	sdelay $0x1  }
0xce: {  	v3 =	vadd.s32 v1, v3;
	_ =	sdelay $0x1  }
0xcf: {  	s25 =	simm.s32 $0xD400  }
0xd0: {  	[tilespmem:s25], [sflag:$0x2] =	stream.indirect_vreg.gather [hbm4b:s3+s4], $0x80, v4, vm0, $0xb8;
	[tilespmem:$0x10400] =	vst v63  }
0xd1: {  	s25 =	simm.s32 $0xDC00  }
0xd2: {  	[tilespmem:s25], [sflag:$0x2] =	stream.indirect_vreg.gather [hbm4b:s3+s4], $0x80, v3, vm0, $0xb8;
	[tilespmem:$0x10400] =	vst v63  }
0xd3: {  	v3 =	vld [tilespmem:$0x2E0];
	_ =	sdelay $0x4  }
0xd4: {  	v46 =	vshll.u32 v3, $0x1  }
0xd5: {  	v3 =	vand.u32 $0x7, v3;
	v4 =	vand.u32 $0xFFFFFFF0, v46  }
0xd6: {  	v3 =	vor.u32 v3, v4  }
0xd7: {  	v4 =	vperm.xlane v3, v0;
	_ =	sdelay $0x1  }
0xd8: {  	v3 =	vperm.xlane v3, v2;
	v4 =	vadd.s32 v1, v4;
	_ =	sdelay $0x1  }
0xd9: {  	v3 =	vadd.s32 v1, v3;
	_ =	sdelay $0x1  }
0xda: {  	s25 =	simm.s32 $0xE400  }
0xdb: {  	[tilespmem:s25], [sflag:$0x2] =	stream.indirect_vreg.gather [hbm4b:s3+s4], $0x80, v4, vm0, $0xb8;
	[tilespmem:$0x10400] =	vst v63  }
0xdc: {  	s25 =	simm.s32 $0xEC00  }
0xdd: {  	[tilespmem:s25], [sflag:$0x2] =	stream.indirect_vreg.gather [hbm4b:s3+s4], $0x80, v3, vm0, $0xb8;
	[tilespmem:$0x10400] =	vst v63  }
0xde: {  	v3 =	vld [tilespmem:$0x2F0];
	_ =	sdelay $0x4  }
0xdf: {  	v47 =	vshll.u32 v3, $0x1  }
0xe0: {  	v3 =	vand.u32 $0x7, v3;
	v4 =	vand.u32 $0xFFFFFFF0, v47  }
0xe1: {  	v3 =	vor.u32 v3, v4  }
0xe2: {  	v4 =	vperm.xlane v3, v0;
	_ =	sdelay $0x1  }
0xe3: {  	v3 =	vperm.xlane v3, v2;
	v4 =	vadd.s32 v1, v4;
	_ =	sdelay $0x1  }
0xe4: {  	v3 =	vadd.s32 v1, v3;
	_ =	sdelay $0x1  }
0xe5: {  	s25 =	simm.s32 $0xF400  }
0xe6: {  	[tilespmem:s25], [sflag:$0x2] =	stream.indirect_vreg.gather [hbm4b:s3+s4], $0x80, v4, vm0, $0xb8;
	[tilespmem:$0x10400] =	vst v63  }
0xe7: {  	s25 =	simm.s32 $0xFC00  }
0xe8: {  	[tilespmem:s25], [sflag:$0x2] =	stream.indirect_vreg.gather [hbm4b:s3+s4], $0x80, v3, vm0, $0xb8;
	[tilespmem:$0x10400] =	vst v63  }
0xe9: {  	_ =	swait.ge [sflag:s24], $0x8000  }
0xea: {  	[sflag:s24] =	ssyncset.done $0x0  }
0xeb: {  	s25 =	rddreg [dreg:$0xa];
	[sflag:s24] =	ssyncadd.s32 $0xFFFF8000  }
0xec: {  	[hbm4b:s25+s4] =	stream.linear.scatter [tilespmem:s0], [sflag:$0x2], $0x8000, $0x38;
	[tilespmem:$0x10400] =	vst v63  }
0xed: {  	_ =	swait.ge [sflag:s10], $0x8000  }
0xee: {  	[sflag:s10] =	ssyncset.done $0x0  }
0xef: {  	[sflag:s10] =	ssyncadd.s32 $0xFFFF8000  }
0xf0: {  	v3 =	vld [tilespmem:$0x300];
	_ =	sdelay $0x4  }
0xf1: {  	v48 =	vshll.u32 v3, $0x1  }
0xf2: {  	v3 =	vand.u32 $0x7, v3;
	v4 =	vand.u32 $0xFFFFFFF0, v48  }
0xf3: {  	v3 =	vor.u32 v3, v4  }
0xf4: {  	v4 =	vperm.xlane v3, v0;
	_ =	sdelay $0x1  }
0xf5: {  	v3 =	vperm.xlane v3, v2;
	v4 =	vadd.s32 v1, v4;
	_ =	sdelay $0x1  }
0xf6: {  	v3 =	vadd.s32 v1, v3;
	_ =	sdelay $0x2  }
0xf7: {  	[tilespmem:s31], [sflag:$0x1] =	stream.indirect_vreg.gather [hbm4b:s3+s4], $0x80, v4, vm0, $0xb8;
	[tilespmem:$0x10400] =	vst v63  }
0xf8: {  	_ = 	snop  }
0xf9: {  	[tilespmem:s26], [sflag:$0x1] =	stream.indirect_vreg.gather [hbm4b:s3+s4], $0x80, v3, vm0, $0xb8;
	[tilespmem:$0x10400] =	vst v63  }
0xfa: {  	v3 =	vld [tilespmem:$0x310];
	_ =	sdelay $0x4  }
0xfb: {  	v49 =	vshll.u32 v3, $0x1  }
0xfc: {  	v3 =	vand.u32 $0x7, v3;
	v4 =	vand.u32 $0xFFFFFFF0, v49  }
0xfd: {  	v3 =	vor.u32 v3, v4  }
0xfe: {  	v4 =	vperm.xlane v3, v0;
	_ =	sdelay $0x1  }
0xff: {  	v3 =	vperm.xlane v3, v2;
	v4 =	vadd.s32 v1, v4;
	_ =	sdelay $0x1  }
0x100: {  	v3 =	vadd.s32 v1, v3;
	_ =	sdelay $0x2  }
0x101: {  	[tilespmem:s28], [sflag:$0x1] =	stream.indirect_vreg.gather [hbm4b:s3+s4], $0x80, v4, vm0, $0xb8;
	[tilespmem:$0x10400] =	vst v63  }
0x102: {  	_ = 	snop  }
0x103: {  	[tilespmem:s29], [sflag:$0x1] =	stream.indirect_vreg.gather [hbm4b:s3+s4], $0x80, v3, vm0, $0xb8;
	[tilespmem:$0x10400] =	vst v63  }
0x104: {  	v3 =	vld [tilespmem:$0x320];
	_ =	sdelay $0x4  }
0x105: {  	v50 =	vshll.u32 v3, $0x1  }
0x106: {  	v3 =	vand.u32 $0x7, v3;
	v4 =	vand.u32 $0xFFFFFFF0, v50  }
0x107: {  	v3 =	vor.u32 v3, v4  }
0x108: {  	v4 =	vperm.xlane v3, v0;
	_ =	sdelay $0x1  }
0x109: {  	v3 =	vperm.xlane v3, v2;
	v4 =	vadd.s32 v1, v4;
	_ =	sdelay $0x1  }
0x10a: {  	v3 =	vadd.s32 v1, v3;
	_ =	sdelay $0x2  }
0x10b: {  	[tilespmem:s30], [sflag:$0x1] =	stream.indirect_vreg.gather [hbm4b:s3+s4], $0x80, v4, vm0, $0xb8;
	[tilespmem:$0x10400] =	vst v63  }
0x10c: {  	_ = 	snop  }
0x10d: {  	[tilespmem:s2], [sflag:$0x1] =	stream.indirect_vreg.gather [hbm4b:s3+s4], $0x80, v3, vm0, $0xb8;
	[tilespmem:$0x10400] =	vst v63  }
0x10e: {  	v3 =	vld [tilespmem:$0x330];
	_ =	sdelay $0x4  }
0x10f: {  	v51 =	vshll.u32 v3, $0x1  }
0x110: {  	v3 =	vand.u32 $0x7, v3;
	v4 =	vand.u32 $0xFFFFFFF0, v51  }
0x111: {  	v3 =	vor.u32 v3, v4  }
0x112: {  	v4 =	vperm.xlane v3, v0;
	_ =	sdelay $0x1  }
0x113: {  	v3 =	vperm.xlane v3, v2;
	v4 =	vadd.s32 v1, v4;
	_ =	sdelay $0x1  }
0x114: {  	v3 =	vadd.s32 v1, v3;
	_ =	sdelay $0x2  }
0x115: {  	[tilespmem:s1], [sflag:$0x1] =	stream.indirect_vreg.gather [hbm4b:s3+s4], $0x80, v4, vm0, $0xb8;
	[tilespmem:$0x10400] =	vst v63  }
0x116: {  	_ = 	snop  }
0x117: {  	[tilespmem:s9], [sflag:$0x1] =	stream.indirect_vreg.gather [hbm4b:s3+s4], $0x80, v3, vm0, $0xb8;
	[tilespmem:$0x10400] =	vst v63  }
0x118: {  	v3 =	vld [tilespmem:$0x340];
	_ =	sdelay $0x4  }
0x119: {  	v52 =	vshll.u32 v3, $0x1  }
0x11a: {  	v3 =	vand.u32 $0x7, v3;
	v4 =	vand.u32 $0xFFFFFFF0, v52  }
0x11b: {  	v3 =	vor.u32 v3, v4  }
0x11c: {  	v4 =	vperm.xlane v3, v0;
	_ =	sdelay $0x1  }
0x11d: {  	v3 =	vperm.xlane v3, v2;
	v4 =	vadd.s32 v1, v4;
	_ =	sdelay $0x1  }
0x11e: {  	v3 =	vadd.s32 v1, v3;
	_ =	sdelay $0x2  }
0x11f: {  	[tilespmem:s11], [sflag:$0x1] =	stream.indirect_vreg.gather [hbm4b:s3+s4], $0x80, v4, vm0, $0xb8;
	[tilespmem:$0x10400] =	vst v63  }
0x120: {  	_ = 	snop  }
0x121: {  	[tilespmem:s12], [sflag:$0x1] =	stream.indirect_vreg.gather [hbm4b:s3+s4], $0x80, v3, vm0, $0xb8;
	[tilespmem:$0x10400] =	vst v63  }
0x122: {  	v3 =	vld [tilespmem:$0x350];
	_ =	sdelay $0x4  }
0x123: {  	v53 =	vshll.u32 v3, $0x1  }
0x124: {  	v3 =	vand.u32 $0x7, v3;
	v4 =	vand.u32 $0xFFFFFFF0, v53  }
0x125: {  	v3 =	vor.u32 v3, v4  }
0x126: {  	v4 =	vperm.xlane v3, v0;
	_ =	sdelay $0x1  }
0x127: {  	v3 =	vperm.xlane v3, v2;
	v4 =	vadd.s32 v1, v4;
	_ =	sdelay $0x1  }
0x128: {  	v3 =	vadd.s32 v1, v3;
	_ =	sdelay $0x2  }
0x129: {  	[tilespmem:s13], [sflag:$0x1] =	stream.indirect_vreg.gather [hbm4b:s3+s4], $0x80, v4, vm0, $0xb8;
	[tilespmem:$0x10400] =	vst v63  }
0x12a: {  	_ = 	snop  }
0x12b: {  	[tilespmem:s15], [sflag:$0x1] =	stream.indirect_vreg.gather [hbm4b:s3+s4], $0x80, v3, vm0, $0xb8;
	[tilespmem:$0x10400] =	vst v63  }
0x12c: {  	v3 =	vld [tilespmem:$0x360];
	_ =	sdelay $0x4  }
0x12d: {  	v54 =	vshll.u32 v3, $0x1  }
0x12e: {  	v3 =	vand.u32 $0x7, v3;
	v4 =	vand.u32 $0xFFFFFFF0, v54  }
0x12f: {  	v3 =	vor.u32 v3, v4  }
0x130: {  	v4 =	vperm.xlane v3, v0;
	_ =	sdelay $0x1  }
0x131: {  	v3 =	vperm.xlane v3, v2;
	v4 =	vadd.s32 v1, v4;
	_ =	sdelay $0x1  }
0x132: {  	v3 =	vadd.s32 v1, v3;
	_ =	sdelay $0x2  }
0x133: {  	[tilespmem:s16], [sflag:$0x1] =	stream.indirect_vreg.gather [hbm4b:s3+s4], $0x80, v4, vm0, $0xb8;
	[tilespmem:$0x10400] =	vst v63  }
0x134: {  	_ = 	snop  }
0x135: {  	[tilespmem:s17], [sflag:$0x1] =	stream.indirect_vreg.gather [hbm4b:s3+s4], $0x80, v3, vm0, $0xb8;
	[tilespmem:$0x10400] =	vst v63  }
0x136: {  	v3 =	vld [tilespmem:$0x370];
	_ =	sdelay $0x4  }
0x137: {  	v55 =	vshll.u32 v3, $0x1  }
0x138: {  	v3 =	vand.u32 $0x7, v3;
	v4 =	vand.u32 $0xFFFFFFF0, v55  }
0x139: {  	v3 =	vor.u32 v3, v4  }
0x13a: {  	v4 =	vperm.xlane v3, v0;
	_ =	sdelay $0x1  }
0x13b: {  	v3 =	vperm.xlane v3, v2;
	v4 =	vadd.s32 v1, v4;
	_ =	sdelay $0x1  }
0x13c: {  	v3 =	vadd.s32 v1, v3;
	_ =	sdelay $0x2  }
0x13d: {  	[tilespmem:s18], [sflag:$0x1] =	stream.indirect_vreg.gather [hbm4b:s3+s4], $0x80, v4, vm0, $0xb8;
	[tilespmem:$0x10400] =	vst v63  }
0x13e: {  	_ = 	snop  }
0x13f: {  	[tilespmem:s5], [sflag:$0x1] =	stream.indirect_vreg.gather [hbm4b:s3+s4], $0x80, v3, vm0, $0xb8;
	[tilespmem:$0x10400] =	vst v63  }
0x140: {  	_ =	swait.ge [sflag:s10], $0x8000  }
0x141: {  	[sflag:s10] =	ssyncset.done $0x0  }
0x142: {  	s26 =	rddreg [dreg:$0xb];
	[sflag:s10] =	ssyncadd.s32 $0xFFFF8000  }
0x143: {  	[hbm4b:s26+s4] =	stream.linear.scatter [tilespmem:s31], [sflag:$0x1], $0x8000, $0x38;
	[tilespmem:$0x10400] =	vst v63  }
0x144: {  	_ =	swait.ge [sflag:s24], $0x8000  }
0x145: {  	[sflag:s24] =	ssyncset.done $0x0  }
0x146: {  	[sflag:s24] =	ssyncadd.s32 $0xFFFF8000  }
0x147: {  	v3 =	vld [tilespmem:$0x380];
	_ =	sdelay $0x4  }
0x148: {  	v56 =	vshll.u32 v3, $0x1  }
0x149: {  	v3 =	vand.u32 $0x7, v3;
	v4 =	vand.u32 $0xFFFFFFF0, v56  }
0x14a: {  	v3 =	vor.u32 v3, v4  }
0x14b: {  	v4 =	vperm.xlane v3, v0;
	_ =	sdelay $0x1  }
0x14c: {  	v3 =	vperm.xlane v3, v2;
	v4 =	vadd.s32 v1, v4;
	_ =	sdelay $0x1  }
0x14d: {  	v3 =	vadd.s32 v1, v3;
	_ =	sdelay $0x2  }
0x14e: {  	[tilespmem:s0], [sflag:$0x2] =	stream.indirect_vreg.gather [hbm4b:s3+s4], $0x80, v4, vm0, $0xb8;
	[tilespmem:$0x10400] =	vst v63  }
0x14f: {  	_ = 	snop  }
0x150: {  	[tilespmem:s19], [sflag:$0x2] =	stream.indirect_vreg.gather [hbm4b:s3+s4], $0x80, v3, vm0, $0xb8;
	[tilespmem:$0x10400] =	vst v63  }
0x151: {  	v3 =	vld [tilespmem:$0x390];
	_ =	sdelay $0x4  }
0x152: {  	v57 =	vshll.u32 v3, $0x1  }
0x153: {  	v3 =	vand.u32 $0x7, v3;
	v4 =	vand.u32 $0xFFFFFFF0, v57  }
0x154: {  	v3 =	vor.u32 v3, v4  }
0x155: {  	v4 =	vperm.xlane v3, v0;
	_ =	sdelay $0x1  }
0x156: {  	v3 =	vperm.xlane v3, v2;
	v4 =	vadd.s32 v1, v4;
	_ =	sdelay $0x1  }
0x157: {  	v3 =	vadd.s32 v1, v3;
	_ =	sdelay $0x2  }
0x158: {  	[tilespmem:s20], [sflag:$0x2] =	stream.indirect_vreg.gather [hbm4b:s3+s4], $0x80, v4, vm0, $0xb8;
	[tilespmem:$0x10400] =	vst v63  }
0x159: {  	_ = 	snop  }
0x15a: {  	[tilespmem:s21], [sflag:$0x2] =	stream.indirect_vreg.gather [hbm4b:s3+s4], $0x80, v3, vm0, $0xb8;
	[tilespmem:$0x10400] =	vst v63  }
0x15b: {  	v3 =	vld [tilespmem:$0x3A0];
	_ =	sdelay $0x4  }
0x15c: {  	v58 =	vshll.u32 v3, $0x1  }
0x15d: {  	v3 =	vand.u32 $0x7, v3;
	v4 =	vand.u32 $0xFFFFFFF0, v58  }
0x15e: {  	v3 =	vor.u32 v3, v4  }
0x15f: {  	v4 =	vperm.xlane v3, v0;
	_ =	sdelay $0x1  }
0x160: {  	v3 =	vperm.xlane v3, v2;
	v4 =	vadd.s32 v1, v4;
	_ =	sdelay $0x1  }
0x161: {  	v3 =	vadd.s32 v1, v3;
	_ =	sdelay $0x2  }
0x162: {  	[tilespmem:s22], [sflag:$0x2] =	stream.indirect_vreg.gather [hbm4b:s3+s4], $0x80, v4, vm0, $0xb8;
	[tilespmem:$0x10400] =	vst v63  }
0x163: {  	_ = 	snop  }
0x164: {  	[tilespmem:s23], [sflag:$0x2] =	stream.indirect_vreg.gather [hbm4b:s3+s4], $0x80, v3, vm0, $0xb8;
	[tilespmem:$0x10400] =	vst v63  }
0x165: {  	v3 =	vld [tilespmem:$0x3B0];
	_ =	sdelay $0x4  }
0x166: {  	v59 =	vshll.u32 v3, $0x1  }
0x167: {  	v3 =	vand.u32 $0x7, v3;
	v4 =	vand.u32 $0xFFFFFFF0, v59  }
0x168: {  	v3 =	vor.u32 v3, v4  }
0x169: {  	v4 =	vperm.xlane v3, v0;
	_ =	sdelay $0x1  }
0x16a: {  	v3 =	vperm.xlane v3, v2;
	v4 =	vadd.s32 v1, v4;
	_ =	sdelay $0x1  }
0x16b: {  	v3 =	vadd.s32 v1, v3;
	_ =	sdelay $0x1  }
0x16c: {  	s28 =	simm.s32 $0xB400  }
0x16d: {  	[tilespmem:s28], [sflag:$0x2] =	stream.indirect_vreg.gather [hbm4b:s3+s4], $0x80, v4, vm0, $0xb8;
	[tilespmem:$0x10400] =	vst v63  }
0x16e: {  	_ = 	snop  }
0x16f: {  	[tilespmem:s8], [sflag:$0x2] =	stream.indirect_vreg.gather [hbm4b:s3+s4], $0x80, v3, vm0, $0xb8;
	[tilespmem:$0x10400] =	vst v63  }
0x170: {  	v3 =	vld [tilespmem:$0x3C0];
	_ =	sdelay $0x4  }
0x171: {  	v60 =	vshll.u32 v3, $0x1  }
0x172: {  	v3 =	vand.u32 $0x7, v3;
	v4 =	vand.u32 $0xFFFFFFF0, v60  }
0x173: {  	v3 =	vor.u32 v3, v4  }
0x174: {  	v4 =	vperm.xlane v3, v0;
	_ =	sdelay $0x1  }
0x175: {  	v3 =	vperm.xlane v3, v2;
	v4 =	vadd.s32 v1, v4;
	_ =	sdelay $0x1  }
0x176: {  	v3 =	vadd.s32 v1, v3;
	_ =	sdelay $0x2  }
0x177: {  	[tilespmem:s14], [sflag:$0x2] =	stream.indirect_vreg.gather [hbm4b:s3+s4], $0x80, v4, vm0, $0xb8;
	[tilespmem:$0x10400] =	vst v63  }
0x178: {  	s29 =	simm.s32 $0xCC00  }
0x179: {  	[tilespmem:s29], [sflag:$0x2] =	stream.indirect_vreg.gather [hbm4b:s3+s4], $0x80, v3, vm0, $0xb8;
	[tilespmem:$0x10400] =	vst v63  }
0x17a: {  	v3 =	vld [tilespmem:$0x3D0];
	_ =	sdelay $0x4  }
0x17b: {  	v61 =	vshll.u32 v3, $0x1  }
0x17c: {  	v3 =	vand.u32 $0x7, v3;
	v4 =	vand.u32 $0xFFFFFFF0, v61  }
0x17d: {  	v3 =	vor.u32 v3, v4  }
0x17e: {  	v4 =	vperm.xlane v3, v0;
	_ =	sdelay $0x1  }
0x17f: {  	v3 =	vperm.xlane v3, v2;
	v4 =	vadd.s32 v1, v4;
	_ =	sdelay $0x1  }
0x180: {  	v3 =	vadd.s32 v1, v3;
	_ =	sdelay $0x1  }
0x181: {  	s30 =	simm.s32 $0xD400  }
0x182: {  	[tilespmem:s30], [sflag:$0x2] =	stream.indirect_vreg.gather [hbm4b:s3+s4], $0x80, v4, vm0, $0xb8;
	[tilespmem:$0x10400] =	vst v63  }
0x183: {  	s8 =	simm.s32 $0xDC00  }
0x184: {  	[tilespmem:s8], [sflag:$0x2] =	stream.indirect_vreg.gather [hbm4b:s3+s4], $0x80, v3, vm0, $0xb8;
	[tilespmem:$0x10400] =	vst v63  }
0x185: {  	v3 =	vld [tilespmem:$0x3E0];
	_ =	sdelay $0x4  }
0x186: {  	v62 =	vshll.u32 v3, $0x1  }
0x187: {  	v3 =	vand.u32 $0x7, v3;
	v4 =	vand.u32 $0xFFFFFFF0, v62  }
0x188: {  	v3 =	vor.u32 v3, v4  }
0x189: {  	v4 =	vperm.xlane v3, v0;
	_ =	sdelay $0x1  }
0x18a: {  	v3 =	vperm.xlane v3, v2;
	v4 =	vadd.s32 v1, v4;
	_ =	sdelay $0x1  }
0x18b: {  	v3 =	vadd.s32 v1, v3;
	_ =	sdelay $0x1  }
0x18c: {  	s25 =	simm.s32 $0xE400  }
0x18d: {  	[tilespmem:s25], [sflag:$0x2] =	stream.indirect_vreg.gather [hbm4b:s3+s4], $0x80, v4, vm0, $0xb8;
	[tilespmem:$0x10400] =	vst v63  }
0x18e: {  	s26 =	simm.s32 $0xEC00  }
0x18f: {  	[tilespmem:s26], [sflag:$0x2] =	stream.indirect_vreg.gather [hbm4b:s3+s4], $0x80, v3, vm0, $0xb8;
	[tilespmem:$0x10400] =	vst v63  }
0x190: {  	v3 =	vld [tilespmem:$0x3F0];
	_ =	sdelay $0x4  }
0x191: {  	v63 =	vshll.u32 v3, $0x1  }
0x192: {  	v3 =	vand.u32 $0x7, v3;
	v4 =	vand.u32 $0xFFFFFFF0, v63  }
0x193: {  	v3 =	vor.u32 v3, v4  }
0x194: {  	v4 =	vperm.xlane v3, v0;
	_ =	sdelay $0x1  }
0x195: {  	v3 =	vperm.xlane v3, v2;
	v4 =	vadd.s32 v1, v4;
	_ =	sdelay $0x1  }
0x196: {  	v3 =	vadd.s32 v1, v3;
	_ =	sdelay $0x1  }
0x197: {  	s28 =	simm.s32 $0xF400  }
0x198: {  	[tilespmem:s28], [sflag:$0x2] =	stream.indirect_vreg.gather [hbm4b:s3+s4], $0x80, v4, vm0, $0xb8;
	[tilespmem:$0x10400] =	vst v63  }
0x199: {  	s29 =	simm.s32 $0xFC00  }
0x19a: {  	[tilespmem:s29], [sflag:$0x2] =	stream.indirect_vreg.gather [hbm4b:s3+s4], $0x80, v3, vm0, $0xb8;
	[tilespmem:$0x10400] =	vst v63  }
0x19b: {  	_ =	swait.ge [sflag:s24], $0x8000  }
0x19c: {  	[sflag:s24] =	ssyncset.done $0x0  }
0x19d: {  	s30 =	rddreg [dreg:$0xc];
	[sflag:s24] =	ssyncadd.s32 $0xFFFF8000  }
0x19e: {  	[hbm4b:s30+s4] =	stream.linear.scatter [tilespmem:s0], [sflag:$0x2], $0x8000, $0x38;
	[tilespmem:$0x10400] =	vst v63  }
0x19f: {  	p0 =	sne.s32 s6, $0x1;
	_ =	swait.ge [sflag:s10], $0x8000  }
.Ltmp0:
0x1a0: {  	[sflag:s10] =	ssyncset.done $0x0;
	(pc) =	sbr.rel @p0 .LBB2_1-.Ltmp0, $4  }
0x1a1: {  	[sflag:s10] =	ssyncadd.s32 $0xFFFF8000  }
0x1a2: {  	_ =	swait.ge [sflag:s24], $0x8000  }
0x1a3: {  	[sflag:s24] =	ssyncset.done $0x0  }
0x1a4: {  	s6 =	sadd.s32 $0xFFFFFFFF, s6;
	[sflag:s24] =	ssyncadd.s32 $0xFFFF8000  }
0x1a5: {  	_ =	sfence.sel $0x180000  }
0x1a6: {  	[bflag:$0x0] =	sbarrier.arrive $0xFFFF  }
0x1a7: {  	_ =	strace $0x90000047  }
0x1a8: {  	s0 =	stileid.u32;
	[bflag:$0x2] =	sbarrier.arrive $0xFFFF  }
0x1a9: {  	p0 =	sne.s32 s0, $0x0;
	s0 =	rddreg [dreg:$0x4]  }
0x1aa: {  	s0 =	sadd.s32 @!p0 $0x100000, s0  }
0x1ab: {  	[sflag:s0] =	ssyncadd.tile.s32 @!p0 $0x1;
	_ =	shalt  }
.Lfunc_end2:
_tile_overlayer_lowered:
.L_overlay_start_2:
0x1ac: {  	(tag) =	ssettag $0x2  }
0x1ad: {  	s0 =	rddreg [dreg:$0x0];
	s2 =	stileid.u32  }
0x1ae: {  	s1 =	rddreg [dreg:$0x1];
	p0 =	sne.s32 s2, $0x0  }
0x1af: {  	s3 =	rddreg [dreg:$0x2];
	[bflag:$0x3] =	sbarrier.arrive $0xFFFF;
	s2 =	simm.s32 @!p0 $0x1C03  }
0x1b0: {  	[timem:s3], [sflag:s2] =	dma.local @!p0 [hbm:s0], s1  }
0x1b1: {  	s0 =	simm.s32 @!p0 $0x3  }
0x1b2: {  	_ =	swait.ge @!p0 [sflag:s0], s1  }
0x1b3: {  	s1 =	ssub.s32 @!p0 $0x0, s1;
	[sflag:s0] =	ssyncset.done @!p0 $0x0  }
0x1b4: {  	[sflag:s0] =	ssyncadd.s32 @!p0 s1  }
0x1b5: {  	[bflag:$0x3] =	sbarrier.arrive $0xFFFF  }
0x1b6: {  	_ =	shalt  }

</sc_bundles>
